<compile_context>
chip_gen: v7x
topology: tpu7x:2x2x1
jax: 0.10.2.dev20260603
libtpu: 0.0.44.dev20260713+nightly
codegen_flags: <defaults>
</compile_context>

<pallas_src>
import functools

import jax
import jax.numpy as jnp
from jax import lax
from jax.experimental import pallas as pl
from jax.experimental.pallas import tpu as pltpu
from jax.experimental.pallas import tpu_sc as plsc

_NC = 2
_NS = 16
_NW = _NC * _NS

_N = 10000
_E = 320000
_D = 128
_DE = 16
_H = 256

_EPT = _E // _NW
_KG = 80
_NCH = _EPT // _KG
_NWR = 10
_RPT = _N // _NWR
_EPS = 1e-5


def _mesh():
    return plsc.VectorSubcoreMesh(
        core_axis_name="c", subcore_axis_name="s",
        num_cores=_NC, num_subcores=_NS)


def _ab_body(x_ref, w1_ref, w2_ref, a_ref, b_ref):
    x = x_ref[...]
    a_ref[...] = jnp.dot(x, w1_ref[...], preferred_element_type=jnp.float32)
    b_ref[...] = jnp.dot(x, w2_ref[...], preferred_element_type=jnp.float32)


def _gather_body(a_hbm, b_hbm, src_hbm, dst_hbm, g_hbm,
                 idx_s, idx_d, rows, sem):
    cid = lax.axis_index("c")
    sid = lax.axis_index("s")
    wid = sid * _NC + cid
    base0 = wid * _EPT

    def chunk(j, carry):
        base = pl.multiple_of(base0 + j * _KG, 8)
        pltpu.sync_copy(src_hbm.at[pl.ds(base, _KG)], idx_s)
        pltpu.sync_copy(dst_hbm.at[pl.ds(base, _KG)], idx_d)
        pltpu.async_copy(a_hbm.at[idx_s], rows, sem).wait()
        pltpu.async_copy(b_hbm.at[idx_d], rows, sem, add=True).wait()
        pltpu.sync_copy(rows, g_hbm.at[pl.ds(base, _KG)])
        return carry

    lax.fori_loop(0, _NCH, chunk, 0)


def _msg_body(er_ref, ea_ref, g_ref, w3_ref, we_ref, m_ref, stats_ref):
    i = pl.program_id(0)
    m = jnp.dot(er_ref[...], w3_ref[...], preferred_element_type=jnp.float32)
    m = m + jnp.dot(ea_ref[...], we_ref[...],
                    preferred_element_type=jnp.float32)
    m = m + g_ref[...]
    m_ref[...] = m
    part = jnp.stack([jnp.sum(m, axis=0), jnp.sum(m * m, axis=0)])

    @pl.when(i == 0)
    def _():
        stats_ref[...] = jnp.zeros_like(stats_ref)

    stats_ref[...] += part


def _scatter_body(m_hbm, dst_hbm, ab_hbm, zeros_hbm, y_hbm,
                  aff, dst_v, rows, ysh, sem):
    cid = lax.axis_index("c")
    sid = lax.axis_index("s")
    wid = sid * _NC + cid
    row0 = pl.multiple_of(sid * _RPT, 8)

    @pl.when(sid < _NWR)
    def _():
        pltpu.sync_copy(zeros_hbm.at[pl.ds(row0, _RPT)],
                        ysh.at[pl.ds(row0, _RPT)])

    pltpu.sync_copy(ab_hbm, aff)
    plsc.subcore_barrier()

    base0 = wid * _EPT

    def chunk(j, carry):
        base = pl.multiple_of(base0 + j * _KG, 8)
        pltpu.sync_copy(dst_hbm.at[pl.ds(base, _KG)], dst_v)
        pltpu.sync_copy(m_hbm.at[pl.ds(base, _KG)], rows)

        def row(r, c2):
            for u in range(_D // 16):
                sl = pl.ds(u * 16, 16)
                v = rows[r, sl] * aff[0, sl] + aff[1, sl]
                rows[r, sl] = jnp.maximum(v, 0.0)
            return c2

        lax.fori_loop(0, _KG, row, 0)
        pltpu.sync_copy(rows, ysh.at[dst_v], add=True)
        return carry

    lax.fori_loop(0, _NCH, chunk, 0)
    plsc.subcore_barrier()

    @pl.when(sid < _NWR)
    def _():
        pltpu.sync_copy(ysh.at[pl.ds(row0, _RPT)],
                        y_hbm.at[cid, pl.ds(row0, _RPT)])


def _mlp1_body(y2_ref, m1_ref, h_ref, stats_ref):
    i = pl.program_id(0)
    y = y2_ref[0] + y2_ref[1]
    h = jnp.dot(y, m1_ref[...], preferred_element_type=jnp.float32)
    h_ref[...] = h
    part = jnp.stack([jnp.sum(h, axis=0), jnp.sum(h * h, axis=0)])

    @pl.when(i == 0)
    def _():
        stats_ref[...] = jnp.zeros_like(stats_ref)

    stats_ref[...] += part


def _mlp2_body(h_ref, aff_ref, m2_ref, o_ref, stats_ref):
    i = pl.program_id(0)
    x = jnp.maximum(h_ref[...] * aff_ref[0] + aff_ref[1], 0.0)
    o = jnp.dot(x, m2_ref[...], preferred_element_type=jnp.float32)
    o_ref[...] = o
    part = jnp.stack([jnp.sum(o, axis=0), jnp.sum(o * o, axis=0)])

    @pl.when(i == 0)
    def _():
        stats_ref[...] = jnp.zeros_like(stats_ref)

    stats_ref[...] += part


def _mlp3_body(h_ref, aff_ref, m3_ref, b3_ref, o_ref):
    x = jnp.maximum(h_ref[...] * aff_ref[0] + aff_ref[1], 0.0)
    o_ref[...] = jnp.dot(x, m3_ref[...],
                         preferred_element_type=jnp.float32) + b3_ref[...]


def _affine(stats, count, gamma, beta):
    mean = stats[0] / count
    var = stats[1] / count - mean * mean
    alpha = gamma * jax.lax.rsqrt(var + _EPS)
    return jnp.stack([alpha, beta - mean * alpha])


def kernel(node_rep, edge_rep, edge_attr, edge_index, W1, W2, W3, We,
           bn_g, bn_b, M1, g1, b1, M2, g2, b2, M3, bias3):
    src = edge_index[0].astype(jnp.int32)
    dst = edge_index[1].astype(jnp.int32)

    a, b = pl.pallas_call(
        _ab_body,
        out_shape=[jax.ShapeDtypeStruct((_N, _D), jnp.float32)] * 2,
    )(node_rep, W1, W2)

    g = pl.kernel(
        _gather_body,
        out_type=jax.ShapeDtypeStruct((_E, _D), jnp.float32),
        mesh=_mesh(),
        scratch_types=[
            pltpu.VMEM((_KG,), jnp.int32),
            pltpu.VMEM((_KG,), jnp.int32),
            pltpu.VMEM((_KG, _D), jnp.float32),
            pltpu.SemaphoreType.DMA,
        ],
    )(a, b, src, dst)

    be = 2000
    m, stats = pl.pallas_call(
        _msg_body,
        grid=(_E // be,),
        in_specs=[
            pl.BlockSpec((be, _D), lambda i: (i, 0)),
            pl.BlockSpec((be, _DE), lambda i: (i, 0)),
            pl.BlockSpec((be, _D), lambda i: (i, 0)),
            pl.BlockSpec((_D, _D), lambda i: (0, 0)),
            pl.BlockSpec((_DE, _D), lambda i: (0, 0)),
        ],
        out_specs=[
            pl.BlockSpec((be, _D), lambda i: (i, 0)),
            pl.BlockSpec((2, _D), lambda i: (0, 0)),
        ],
        out_shape=[
            jax.ShapeDtypeStruct((_E, _D), jnp.float32),
            jax.ShapeDtypeStruct((2, _D), jnp.float32),
        ],
    )(edge_rep, edge_attr, g, W3, We)

    ab_edge = _affine(stats, float(_E), bn_g, bn_b)
    zeros_n = jnp.zeros((_N, _D), jnp.float32)

    y2 = pl.kernel(
        _scatter_body,
        out_type=jax.ShapeDtypeStruct((_NC, _N, _D), jnp.float32),
        mesh=_mesh(),
        scratch_types=[
            pltpu.VMEM((2, _D), jnp.float32),
            pltpu.VMEM((_KG,), jnp.int32),
            pltpu.VMEM((_KG, _D), jnp.float32),
            pltpu.VMEM_SHARED((_N, _D), jnp.float32),
            pltpu.SemaphoreType.DMA,
        ],
    )(m, dst, ab_edge, zeros_n)

    br = 2000
    h1, s1 = pl.pallas_call(
        _mlp1_body,
        grid=(_N // br,),
        in_specs=[
            pl.BlockSpec((_NC, br, _D), lambda i: (0, i, 0)),
            pl.BlockSpec((_D, _H), lambda i: (0, 0)),
        ],
        out_specs=[
            pl.BlockSpec((br, _H), lambda i: (i, 0)),
            pl.BlockSpec((2, _H), lambda i: (0, 0)),
        ],
        out_shape=[
            jax.ShapeDtypeStruct((_N, _H), jnp.float32),
            jax.ShapeDtypeStruct((2, _H), jnp.float32),
        ],
    )(y2, M1)

    aff1 = _affine(s1, float(_N), g1, b1)
    h2, s2 = pl.pallas_call(
        _mlp2_body,
        grid=(_N // br,),
        in_specs=[
            pl.BlockSpec((br, _H), lambda i: (i, 0)),
            pl.BlockSpec((2, _H), lambda i: (0, 0)),
            pl.BlockSpec((_H, _H), lambda i: (0, 0)),
        ],
        out_specs=[
            pl.BlockSpec((br, _H), lambda i: (i, 0)),
            pl.BlockSpec((2, _H), lambda i: (0, 0)),
        ],
        out_shape=[
            jax.ShapeDtypeStruct((_N, _H), jnp.float32),
            jax.ShapeDtypeStruct((2, _H), jnp.float32),
        ],
    )(h1, aff1, M2)

    aff2 = _affine(s2, float(_N), g2, b2)
    out = pl.pallas_call(
        _mlp3_body,
        grid=(_N // br,),
        in_specs=[
            pl.BlockSpec((br, _H), lambda i: (i, 0)),
            pl.BlockSpec((2, _H), lambda i: (0, 0)),
            pl.BlockSpec((_H, _D), lambda i: (0, 0)),
            pl.BlockSpec((1, _D), lambda i: (0, 0)),
        ],
        out_specs=pl.BlockSpec((br, _D), lambda i: (i, 0)),
        out_shape=jax.ShapeDtypeStruct((_N, _D), jnp.float32),
    )(h2, aff2, M3, bias3.reshape(1, _D))

    return out

# --- scband reference (transcript-rebuilt; emitter-appended) ---
"""Pipeline reference for scband-conv-zero-12017318494892 (READ-ONLY COPY).

The authoritative reference and input builder live on the scoring server;
editing this copy changes nothing except your own understanding.
"""

import jax, jax.numpy as jnp
import numpy as np

N = 10000
E = 320000
D = 128
DE = 16
H = 256  # mlp hidden = 2*out


def _bn(x, gamma, beta, eps=1e-5):
    mean = jnp.mean(x, axis=0)
    var = jnp.var(x, axis=0)
    return (x - mean) / jnp.sqrt(var + eps) * gamma + beta


def setup_inputs(seed: int = 0) -> dict:
    key = jax.random.key(seed)
    ks = [jax.random.fold_in(key, i) for i in range(20)]
    inp = {}
    inp['node_rep'] = jax.random.normal(ks[0], (N, D), dtype=jnp.float32)
    inp['edge_rep'] = jax.random.normal(ks[1], (E, D), dtype=jnp.float32)
    inp['edge_attr'] = jax.random.normal(ks[2], (E, DE), dtype=jnp.float32)
    inp['edge_index'] = jax.random.randint(ks[3], (2, E), 0, N, dtype=jnp.int64)
    s = 1.0 / np.sqrt(D)
    inp['W1'] = jax.random.uniform(ks[4], (D, D), jnp.float32, -s, s)
    inp['W2'] = jax.random.uniform(ks[5], (D, D), jnp.float32, -s, s)
    inp['W3'] = jax.random.uniform(ks[6], (D, D), jnp.float32, -s, s)
    se = 1.0 / np.sqrt(DE)
    inp['We'] = jax.random.uniform(ks[7], (DE, D), jnp.float32, -se, se)
    inp['bn_g'] = jnp.ones((D,), jnp.float32)
    inp['bn_b'] = jnp.zeros((D,), jnp.float32)
    inp['M1'] = jax.random.uniform(ks[8], (D, H), jnp.float32, -s, s)
    inp['g1'] = jnp.ones((H,), jnp.float32)
    inp['b1'] = jnp.zeros((H,), jnp.float32)
    sh = 1.0 / np.sqrt(H)
    inp['M2'] = jax.random.uniform(ks[9], (H, H), jnp.float32, -sh, sh)
    inp['g2'] = jnp.ones((H,), jnp.float32)
    inp['b2'] = jnp.zeros((H,), jnp.float32)
    inp['M3'] = jax.random.uniform(ks[10], (H, D), jnp.float32, -sh, sh)
    inp['bias3'] = jax.random.uniform(ks[11], (D,), jnp.float32, -sh, sh)
    return inp


def reference(node_rep, edge_rep, edge_attr, edge_index, W1, W2, W3, We, bn_g, bn_b, M1, g1, b1, M2, g2, b2, M3, bias3):
    src = edge_index[0]
    dst = edge_index[1]
    messages = (node_rep @ W1)[src] + (node_rep @ W2)[dst] + edge_attr @ We + edge_rep @ W3
    messages = jax.nn.relu(_bn(messages, bn_g, bn_b))
    y = jax.ops.segment_sum(messages, dst, num_segments=node_rep.shape[0])
    h = jax.nn.relu(_bn(y @ M1, g1, b1))
    h = jax.nn.relu(_bn(h @ M2, g2, b2))
    out = h @ M3 + bias3
    return out

if __name__ == "__main__":
    import jax
    _d = setup_inputs()
    print(jax.jit(kernel)(*tuple(_d.values())))

</pallas_src>

<mosaic_0001>
#map = affine_map<(d0, d1) -> (0, 0)>
#map1 = affine_map<(d0, d1) -> (0)>
#map2 = affine_map<(d0, d1) -> (0, 0, 0)>
module attributes {stable_mosaic.version = 14 : i64} {
  func.func @_scatter_body(%arg0: i32, %arg1: i32, %arg2: memref<320000x128xf32, #tpu.memory_space<hbm>>, %arg3: memref<320000xi32, #tpu.memory_space<hbm>>, %arg4: memref<2x128xf32, #tpu.memory_space<hbm>>, %arg5: memref<10000x128xf32, #tpu.memory_space<hbm>>, %arg6: memref<2x10000x128xf32, #tpu.memory_space<hbm>>, %arg7: memref<2x128xf32, #tpu.memory_space<vmem>>, %arg8: memref<80xi32, #tpu.memory_space<vmem>>, %arg9: memref<80x128xf32, #tpu.memory_space<vmem>>, %arg10: memref<10000x128xf32, #tpu.memory_space<vmem_shared>>, %arg11: memref<!tpu.dma_semaphore, #tpu.memory_space<semaphore_mem>>) attributes {dimension_semantics = [#tpu.dimension_semantics<core_parallel>, #tpu.dimension_semantics<subcore_parallel>], iteration_bounds = array<i64: 2, 16>, scalar_prefetch = 0 : i64, scratch_operands = 5 : i64, tpu.core_type = #tpu.core_type<sc_vector_subcore>, window_params = [{transform_indices = #map}, {transform_indices = #map1}, {transform_indices = #map}, {transform_indices = #map}, {transform_indices = #map2}]} {
    %mul3A = arith.constant 2 : i32
    %mul3A_0 = arith.muli %arg1, %mul3A : i32
    %add3A = arith.addi %mul3A_0, %arg0 : i32
    %mul3A_1 = arith.constant 1000 : i32
    %mul3A_2 = arith.muli %arg1, %mul3A_1 : i32
    %multiple_of3A = tpu.assume_multiple %mul3A_2, 8 : i32
    %lt3A = arith.constant 10 : i32
    %lt3A_3 = arith.cmpi slt, %arg1, %lt3A : i32
    %convert_element_type3A = arith.extui %lt3A_3 : i1 to i32
    %cond3A = arith.constant 0 : i32
    %cond3A_4 = arith.cmpi ne, %convert_element_type3A, %cond3A : i32
    scf.if %cond3A_4 {
      "tpu.region"() ({
        %run_scoped3A = tpu.sem_alloc : memref<!tpu.dma_semaphore, #tpu.memory_space<semaphore_mem>>
        %dma_start3A = arith.constant 0 : i32
        %dma_start3A_18 = tpu.memref_slice %arg10[%multiple_of3A, %dma_start3A] : memref<10000x128xf32, #tpu.memory_space<vmem_shared>> -> memref<1000x128xf32, #tpu.memory_space<vmem_shared>>
        %dma_start3A_19 = arith.constant 0 : i32
        %dma_start3A_20 = tpu.memref_slice %arg5[%multiple_of3A, %dma_start3A_19] : memref<10000x128xf32, #tpu.memory_space<hbm>> -> memref<1000x128xf32, #tpu.memory_space<hbm>>
        tpu.enqueue_dma source(%dma_start3A_20 : memref<1000x128xf32, #tpu.memory_space<hbm>>) target(%dma_start3A_18 : memref<1000x128xf32, #tpu.memory_space<vmem_shared>>) target_semaphore(%run_scoped3A : memref<!tpu.dma_semaphore, #tpu.memory_space<semaphore_mem>>)
        %dma_wait3A = arith.constant 0 : i32
        %dma_wait3A_21 = tpu.memref_slice %arg10[%multiple_of3A, %dma_wait3A] : memref<10000x128xf32, #tpu.memory_space<vmem_shared>> -> memref<1000x128xf32, #tpu.memory_space<vmem_shared>>
        %dma_wait3A_22 = arith.constant 0 : i32
        %dma_wait3A_23 = tpu.memref_slice %arg5[%multiple_of3A, %dma_wait3A_22] : memref<10000x128xf32, #tpu.memory_space<hbm>> -> memref<1000x128xf32, #tpu.memory_space<hbm>>
        tpu.wait_dma2 semaphore(%run_scoped3A : memref<!tpu.dma_semaphore, #tpu.memory_space<semaphore_mem>>) src(%dma_wait3A_23 : memref<1000x128xf32, #tpu.memory_space<hbm>>) dst(%dma_wait3A_21 : memref<1000x128xf32, #tpu.memory_space<vmem_shared>>)
        tpu.yield
      }) : () -> ()
    } else {
    }
    "tpu.region"() ({
      %run_scoped3A = tpu.sem_alloc : memref<!tpu.dma_semaphore, #tpu.memory_space<semaphore_mem>>
      tpu.enqueue_dma source(%arg4 : memref<2x128xf32, #tpu.memory_space<hbm>>) target(%arg7 : memref<2x128xf32, #tpu.memory_space<vmem>>) target_semaphore(%run_scoped3A : memref<!tpu.dma_semaphore, #tpu.memory_space<semaphore_mem>>)
      tpu.wait_dma2 semaphore(%run_scoped3A : memref<!tpu.dma_semaphore, #tpu.memory_space<semaphore_mem>>) src(%arg4 : memref<2x128xf32, #tpu.memory_space<hbm>>) dst(%arg7 : memref<2x128xf32, #tpu.memory_space<vmem>>)
      tpu.yield
    }) : () -> ()
    %barrier3A = arith.constant 0 : index
    tpu.barrier barrier_id(%barrier3A)
    %mul3A_5 = arith.constant 10000 : i32
    %mul3A_6 = arith.muli %add3A, %mul3A_5 : i32
    %scan3A = arith.constant 0 : i32
    %scan3A_7 = arith.constant 0 : i32
    %scan3A_8 = arith.constant 125 : i32
    %scan3A_9 = arith.addi %scan3A_7, %scan3A_8 : i32
    %scan3A_10 = arith.constant 1 : i32
    scf.for %scan3A_18 = %scan3A_7 to %scan3A_9 step %scan3A_10  : i32 {
      %mul3A_19 = arith.constant 80 : i32
      %mul3A_20 = arith.muli %scan3A_18, %mul3A_19 : i32
      %add3A_21 = arith.addi %mul3A_6, %mul3A_20 : i32
      %multiple_of3A_22 = tpu.assume_multiple %add3A_21, 8 : i32
      "tpu.region"() ({
        %run_scoped3A = tpu.sem_alloc : memref<!tpu.dma_semaphore, #tpu.memory_space<semaphore_mem>>
        %dma_start3A = tpu.memref_slice %arg3[%multiple_of3A_22] : memref<320000xi32, #tpu.memory_space<hbm>> -> memref<80xi32, #tpu.memory_space<hbm>>
        %dma_start3A_29 = tpu.memref_slice %arg3[%multiple_of3A_22] : memref<320000xi32, #tpu.memory_space<hbm>> -> memref<80xi32, #tpu.memory_space<hbm>>
        tpu.enqueue_dma source(%dma_start3A_29 : memref<80xi32, #tpu.memory_space<hbm>>) target(%arg8 : memref<80xi32, #tpu.memory_space<vmem>>) target_semaphore(%run_scoped3A : memref<!tpu.dma_semaphore, #tpu.memory_space<semaphore_mem>>)
        %dma_wait3A = tpu.memref_slice %arg3[%multiple_of3A_22] : memref<320000xi32, #tpu.memory_space<hbm>> -> memref<80xi32, #tpu.memory_space<hbm>>
        %dma_wait3A_30 = tpu.memref_slice %arg3[%multiple_of3A_22] : memref<320000xi32, #tpu.memory_space<hbm>> -> memref<80xi32, #tpu.memory_space<hbm>>
        tpu.wait_dma2 semaphore(%run_scoped3A : memref<!tpu.dma_semaphore, #tpu.memory_space<semaphore_mem>>) src(%dma_wait3A_30 : memref<80xi32, #tpu.memory_space<hbm>>) dst(%arg8 : memref<80xi32, #tpu.memory_space<vmem>>)
        tpu.yield
      }) : () -> ()
      "tpu.region"() ({
        %run_scoped3A = tpu.sem_alloc : memref<!tpu.dma_semaphore, #tpu.memory_space<semaphore_mem>>
        %dma_start3A = arith.constant 0 : i32
        %dma_start3A_29 = tpu.memref_slice %arg2[%multiple_of3A_22, %dma_start3A] : memref<320000x128xf32, #tpu.memory_space<hbm>> -> memref<80x128xf32, #tpu.memory_space<hbm>>
        %dma_start3A_30 = arith.constant 0 : i32
        %dma_start3A_31 = tpu.memref_slice %arg2[%multiple_of3A_22, %dma_start3A_30] : memref<320000x128xf32, #tpu.memory_space<hbm>> -> memref<80x128xf32, #tpu.memory_space<hbm>>
        tpu.enqueue_dma source(%dma_start3A_31 : memref<80x128xf32, #tpu.memory_space<hbm>>) target(%arg9 : memref<80x128xf32, #tpu.memory_space<vmem>>) target_semaphore(%run_scoped3A : memref<!tpu.dma_semaphore, #tpu.memory_space<semaphore_mem>>)
        %dma_wait3A = arith.constant 0 : i32
        %dma_wait3A_32 = tpu.memref_slice %arg2[%multiple_of3A_22, %dma_wait3A] : memref<320000x128xf32, #tpu.memory_space<hbm>> -> memref<80x128xf32, #tpu.memory_space<hbm>>
        %dma_wait3A_33 = arith.constant 0 : i32
        %dma_wait3A_34 = tpu.memref_slice %arg2[%multiple_of3A_22, %dma_wait3A_33] : memref<320000x128xf32, #tpu.memory_space<hbm>> -> memref<80x128xf32, #tpu.memory_space<hbm>>
        tpu.wait_dma2 semaphore(%run_scoped3A : memref<!tpu.dma_semaphore, #tpu.memory_space<semaphore_mem>>) src(%dma_wait3A_34 : memref<80x128xf32, #tpu.memory_space<hbm>>) dst(%arg9 : memref<80x128xf32, #tpu.memory_space<vmem>>)
        tpu.yield
      }) : () -> ()
      %scan3A_23 = arith.constant 0 : i32
      %scan3A_24 = arith.constant 0 : i32
      %scan3A_25 = arith.constant 80 : i32
      %scan3A_26 = arith.addi %scan3A_24, %scan3A_25 : i32
      %scan3A_27 = arith.constant 1 : i32
      scf.for %scan3A_29 = %scan3A_24 to %scan3A_26 step %scan3A_27  : i32 {
        %get3A = arith.index_cast %scan3A_29 : i32 to index
        %get3A_30 = arith.constant 0 : index
        %get3A_31 = tpu.vector_load %arg9[%get3A, %get3A_30] {strides = array<i32>} : memref<80x128xf32, #tpu.memory_space<vmem>>, vector<1x16xf32>,
        %get3A_32 = vector.shape_cast %get3A_31 : vector<1x16xf32> to vector<16xf32>
        %get3A_33 = arith.constant 0 : i32
        %get3A_34 = arith.index_cast %get3A_33 : i32 to index
        %get3A_35 = arith.constant 0 : index
        %get3A_36 = tpu.vector_load %arg7[%get3A_34, %get3A_35] {strides = array<i32>} : memref<2x128xf32, #tpu.memory_space<vmem>>, vector<1x16xf32>,
        %get3A_37 = vector.shape_cast %get3A_36 : vector<1x16xf32> to vector<16xf32>
        %mul3A_38 = arith.mulf %get3A_32, %get3A_37 : vector<16xf32>
        %get3A_39 = arith.constant 1 : i32
        %get3A_40 = arith.index_cast %get3A_39 : i32 to index
        %get3A_41 = arith.constant 0 : index
        %get3A_42 = tpu.vector_load %arg7[%get3A_40, %get3A_41] {strides = array<i32>} : memref<2x128xf32, #tpu.memory_space<vmem>>, vector<1x16xf32>,
        %get3A_43 = vector.shape_cast %get3A_42 : vector<1x16xf32> to vector<16xf32>
        %add3A_44 = arith.addf %mul3A_38, %get3A_43 : vector<16xf32>
        %max3A = arith.constant 0.000000e+00 : f32
        %max3A_45 = vector.broadcast %max3A : f32 to vector<16xf32>
        %max3A_46 = arith.maximumf %add3A_44, %max3A_45 : vector<16xf32>
        %swap3A = arith.index_cast %scan3A_29 : i32 to index
        %swap3A_47 = arith.constant 0 : index
        %swap3A_48 = tpu.vector_load %arg9[%swap3A, %swap3A_47] {strides = array<i32>} : memref<80x128xf32, #tpu.memory_space<vmem>>, vector<1x16xf32>,
        %swap3A_49 = vector.shape_cast %swap3A_48 : vector<1x16xf32> to vector<16xf32>
        %swap3A_50 = vector.shape_cast %max3A_46 : vector<16xf32> to vector<1x16xf32>
        tpu.vector_store %arg9[%swap3A, %swap3A_47], %swap3A_50 {strides = array<i32>} : memref<80x128xf32, #tpu.memory_space<vmem>>, vector<1x16xf32>,
        %get3A_51 = arith.index_cast %scan3A_29 : i32 to index
        %get3A_52 = arith.constant 16 : index
        %get3A_53 = tpu.vector_load %arg9[%get3A_51, %get3A_52] {strides = array<i32>} : memref<80x128xf32, #tpu.memory_space<vmem>>, vector<1x16xf32>,
        %get3A_54 = vector.shape_cast %get3A_53 : vector<1x16xf32> to vector<16xf32>
        %get3A_55 = arith.constant 0 : i32
        %get3A_56 = arith.index_cast %get3A_55 : i32 to index
        %get3A_57 = arith.constant 16 : index
        %get3A_58 = tpu.vector_load %arg7[%get3A_56, %get3A_57] {strides = array<i32>} : memref<2x128xf32, #tpu.memory_space<vmem>>, vector<1x16xf32>,
        %get3A_59 = vector.shape_cast %get3A_58 : vector<1x16xf32> to vector<16xf32>
        %mul3A_60 = arith.mulf %get3A_54, %get3A_59 : vector<16xf32>
        %get3A_61 = arith.constant 1 : i32
        %get3A_62 = arith.index_cast %get3A_61 : i32 to index
        %get3A_63 = arith.constant 16 : index
        %get3A_64 = tpu.vector_load %arg7[%get3A_62, %get3A_63] {strides = array<i32>} : memref<2x128xf32, #tpu.memory_space<vmem>>, vector<1x16xf32>,
        %get3A_65 = vector.shape_cast %get3A_64 : vector<1x16xf32> to vector<16xf32>
        %add3A_66 = arith.addf %mul3A_60, %get3A_65 : vector<16xf32>
        %max3A_67 = arith.constant 0.000000e+00 : f32
        %max3A_68 = vector.broadcast %max3A_67 : f32 to vector<16xf32>
        %max3A_69 = arith.maximumf %add3A_66, %max3A_68 : vector<16xf32>
        %swap3A_70 = arith.index_cast %scan3A_29 : i32 to index
        %swap3A_71 = arith.constant 16 : index
        %swap3A_72 = tpu.vector_load %arg9[%swap3A_70, %swap3A_71] {strides = array<i32>} : memref<80x128xf32, #tpu.memory_space<vmem>>, vector<1x16xf32>,
        %swap3A_73 = vector.shape_cast %swap3A_72 : vector<1x16xf32> to vector<16xf32>
        %swap3A_74 = vector.shape_cast %max3A_69 : vector<16xf32> to vector<1x16xf32>
        tpu.vector_store %arg9[%swap3A_70, %swap3A_71], %swap3A_74 {strides = array<i32>} : memref<80x128xf32, #tpu.memory_space<vmem>>, vector<1x16xf32>,
        %get3A_75 = arith.index_cast %scan3A_29 : i32 to index
        %get3A_76 = arith.constant 32 : index
        %get3A_77 = tpu.vector_load %arg9[%get3A_75, %get3A_76] {strides = array<i32>} : memref<80x128xf32, #tpu.memory_space<vmem>>, vector<1x16xf32>,
        %get3A_78 = vector.shape_cast %get3A_77 : vector<1x16xf32> to vector<16xf32>
        %get3A_79 = arith.constant 0 : i32
        %get3A_80 = arith.index_cast %get3A_79 : i32 to index
        %get3A_81 = arith.constant 32 : index
        %get3A_82 = tpu.vector_load %arg7[%get3A_80, %get3A_81] {strides = array<i32>} : memref<2x128xf32, #tpu.memory_space<vmem>>, vector<1x16xf32>,
        %get3A_83 = vector.shape_cast %get3A_82 : vector<1x16xf32> to vector<16xf32>
        %mul3A_84 = arith.mulf %get3A_78, %get3A_83 : vector<16xf32>
        %get3A_85 = arith.constant 1 : i32
        %get3A_86 = arith.index_cast %get3A_85 : i32 to index
        %get3A_87 = arith.constant 32 : index
        %get3A_88 = tpu.vector_load %arg7[%get3A_86, %get3A_87] {strides = array<i32>} : memref<2x128xf32, #tpu.memory_space<vmem>>, vector<1x16xf32>,
        %get3A_89 = vector.shape_cast %get3A_88 : vector<1x16xf32> to vector<16xf32>
        %add3A_90 = arith.addf %mul3A_84, %get3A_89 : vector<16xf32>
        %max3A_91 = arith.constant 0.000000e+00 : f32
        %max3A_92 = vector.broadcast %max3A_91 : f32 to vector<16xf32>
        %max3A_93 = arith.maximumf %add3A_90, %max3A_92 : vector<16xf32>
        %swap3A_94 = arith.index_cast %scan3A_29 : i32 to index
        %swap3A_95 = arith.constant 32 : index
        %swap3A_96 = tpu.vector_load %arg9[%swap3A_94, %swap3A_95] {strides = array<i32>} : memref<80x128xf32, #tpu.memory_space<vmem>>, vector<1x16xf32>,
        %swap3A_97 = vector.shape_cast %swap3A_96 : vector<1x16xf32> to vector<16xf32>
        %swap3A_98 = vector.shape_cast %max3A_93 : vector<16xf32> to vector<1x16xf32>
        tpu.vector_store %arg9[%swap3A_94, %swap3A_95], %swap3A_98 {strides = array<i32>} : memref<80x128xf32, #tpu.memory_space<vmem>>, vector<1x16xf32>,
        %get3A_99 = arith.index_cast %scan3A_29 : i32 to index
        %get3A_100 = arith.constant 48 : index
        %get3A_101 = tpu.vector_load %arg9[%get3A_99, %get3A_100] {strides = array<i32>} : memref<80x128xf32, #tpu.memory_space<vmem>>, vector<1x16xf32>,
        %get3A_102 = vector.shape_cast %get3A_101 : vector<1x16xf32> to vector<16xf32>
        %get3A_103 = arith.constant 0 : i32
        %get3A_104 = arith.index_cast %get3A_103 : i32 to index
        %get3A_105 = arith.constant 48 : index
        %get3A_106 = tpu.vector_load %arg7[%get3A_104, %get3A_105] {strides = array<i32>} : memref<2x128xf32, #tpu.memory_space<vmem>>, vector<1x16xf32>,
        %get3A_107 = vector.shape_cast %get3A_106 : vector<1x16xf32> to vector<16xf32>
        %mul3A_108 = arith.mulf %get3A_102, %get3A_107 : vector<16xf32>
        %get3A_109 = arith.constant 1 : i32
        %get3A_110 = arith.index_cast %get3A_109 : i32 to index
        %get3A_111 = arith.constant 48 : index
        %get3A_112 = tpu.vector_load %arg7[%get3A_110, %get3A_111] {strides = array<i32>} : memref<2x128xf32, #tpu.memory_space<vmem>>, vector<1x16xf32>,
        %get3A_113 = vector.shape_cast %get3A_112 : vector<1x16xf32> to vector<16xf32>
        %add3A_114 = arith.addf %mul3A_108, %get3A_113 : vector<16xf32>
        %max3A_115 = arith.constant 0.000000e+00 : f32
        %max3A_116 = vector.broadcast %max3A_115 : f32 to vector<16xf32>
        %max3A_117 = arith.maximumf %add3A_114, %max3A_116 : vector<16xf32>
        %swap3A_118 = arith.index_cast %scan3A_29 : i32 to index
        %swap3A_119 = arith.constant 48 : index
        %swap3A_120 = tpu.vector_load %arg9[%swap3A_118, %swap3A_119] {strides = array<i32>} : memref<80x128xf32, #tpu.memory_space<vmem>>, vector<1x16xf32>,
        %swap3A_121 = vector.shape_cast %swap3A_120 : vector<1x16xf32> to vector<16xf32>
        %swap3A_122 = vector.shape_cast %max3A_117 : vector<16xf32> to vector<1x16xf32>
        tpu.vector_store %arg9[%swap3A_118, %swap3A_119], %swap3A_122 {strides = array<i32>} : memref<80x128xf32, #tpu.memory_space<vmem>>, vector<1x16xf32>,
        %get3A_123 = arith.index_cast %scan3A_29 : i32 to index
        %get3A_124 = arith.constant 64 : index
        %get3A_125 = tpu.vector_load %arg9[%get3A_123, %get3A_124] {strides = array<i32>} : memref<80x128xf32, #tpu.memory_space<vmem>>, vector<1x16xf32>,
        %get3A_126 = vector.shape_cast %get3A_125 : vector<1x16xf32> to vector<16xf32>
        %get3A_127 = arith.constant 0 : i32
        %get3A_128 = arith.index_cast %get3A_127 : i32 to index
        %get3A_129 = arith.constant 64 : index
        %get3A_130 = tpu.vector_load %arg7[%get3A_128, %get3A_129] {strides = array<i32>} : memref<2x128xf32, #tpu.memory_space<vmem>>, vector<1x16xf32>,
        %get3A_131 = vector.shape_cast %get3A_130 : vector<1x16xf32> to vector<16xf32>
        %mul3A_132 = arith.mulf %get3A_126, %get3A_131 : vector<16xf32>
        %get3A_133 = arith.constant 1 : i32
        %get3A_134 = arith.index_cast %get3A_133 : i32 to index
        %get3A_135 = arith.constant 64 : index
        %get3A_136 = tpu.vector_load %arg7[%get3A_134, %get3A_135] {strides = array<i32>} : memref<2x128xf32, #tpu.memory_space<vmem>>, vector<1x16xf32>,
        %get3A_137 = vector.shape_cast %get3A_136 : vector<1x16xf32> to vector<16xf32>
        %add3A_138 = arith.addf %mul3A_132, %get3A_137 : vector<16xf32>
        %max3A_139 = arith.constant 0.000000e+00 : f32
        %max3A_140 = vector.broadcast %max3A_139 : f32 to vector<16xf32>
        %max3A_141 = arith.maximumf %add3A_138, %max3A_140 : vector<16xf32>
        %swap3A_142 = arith.index_cast %scan3A_29 : i32 to index
        %swap3A_143 = arith.constant 64 : index
        %swap3A_144 = tpu.vector_load %arg9[%swap3A_142, %swap3A_143] {strides = array<i32>} : memref<80x128xf32, #tpu.memory_space<vmem>>, vector<1x16xf32>,
        %swap3A_145 = vector.shape_cast %swap3A_144 : vector<1x16xf32> to vector<16xf32>
        %swap3A_146 = vector.shape_cast %max3A_141 : vector<16xf32> to vector<1x16xf32>
        tpu.vector_store %arg9[%swap3A_142, %swap3A_143], %swap3A_146 {strides = array<i32>} : memref<80x128xf32, #tpu.memory_space<vmem>>, vector<1x16xf32>,
        %get3A_147 = arith.index_cast %scan3A_29 : i32 to index
        %get3A_148 = arith.constant 80 : index
        %get3A_149 = tpu.vector_load %arg9[%get3A_147, %get3A_148] {strides = array<i32>} : memref<80x128xf32, #tpu.memory_space<vmem>>, vector<1x16xf32>,
        %get3A_150 = vector.shape_cast %get3A_149 : vector<1x16xf32> to vector<16xf32>
        %get3A_151 = arith.constant 0 : i32
        %get3A_152 = arith.index_cast %get3A_151 : i32 to index
        %get3A_153 = arith.constant 80 : index
        %get3A_154 = tpu.vector_load %arg7[%get3A_152, %get3A_153] {strides = array<i32>} : memref<2x128xf32, #tpu.memory_space<vmem>>, vector<1x16xf32>,
        %get3A_155 = vector.shape_cast %get3A_154 : vector<1x16xf32> to vector<16xf32>
        %mul3A_156 = arith.mulf %get3A_150, %get3A_155 : vector<16xf32>
        %get3A_157 = arith.constant 1 : i32
        %get3A_158 = arith.index_cast %get3A_157 : i32 to index
        %get3A_159 = arith.constant 80 : index
        %get3A_160 = tpu.vector_load %arg7[%get3A_158, %get3A_159] {strides = array<i32>} : memref<2x128xf32, #tpu.memory_space<vmem>>, vector<1x16xf32>,
        %get3A_161 = vector.shape_cast %get3A_160 : vector<1x16xf32> to vector<16xf32>
        %add3A_162 = arith.addf %mul3A_156, %get3A_161 : vector<16xf32>
        %max3A_163 = arith.constant 0.000000e+00 : f32
        %max3A_164 = vector.broadcast %max3A_163 : f32 to vector<16xf32>
        %max3A_165 = arith.maximumf %add3A_162, %max3A_164 : vector<16xf32>
        %swap3A_166 = arith.index_cast %scan3A_29 : i32 to index
        %swap3A_167 = arith.constant 80 : index
        %swap3A_168 = tpu.vector_load %arg9[%swap3A_166, %swap3A_167] {strides = array<i32>} : memref<80x128xf32, #tpu.memory_space<vmem>>, vector<1x16xf32>,
        %swap3A_169 = vector.shape_cast %swap3A_168 : vector<1x16xf32> to vector<16xf32>
        %swap3A_170 = vector.shape_cast %max3A_165 : vector<16xf32> to vector<1x16xf32>
        tpu.vector_store %arg9[%swap3A_166, %swap3A_167], %swap3A_170 {strides = array<i32>} : memref<80x128xf32, #tpu.memory_space<vmem>>, vector<1x16xf32>,
        %get3A_171 = arith.index_cast %scan3A_29 : i32 to index
        %get3A_172 = arith.constant 96 : index
        %get3A_173 = tpu.vector_load %arg9[%get3A_171, %get3A_172] {strides = array<i32>} : memref<80x128xf32, #tpu.memory_space<vmem>>, vector<1x16xf32>,
        %get3A_174 = vector.shape_cast %get3A_173 : vector<1x16xf32> to vector<16xf32>
        %get3A_175 = arith.constant 0 : i32
        %get3A_176 = arith.index_cast %get3A_175 : i32 to index
        %get3A_177 = arith.constant 96 : index
        %get3A_178 = tpu.vector_load %arg7[%get3A_176, %get3A_177] {strides = array<i32>} : memref<2x128xf32, #tpu.memory_space<vmem>>, vector<1x16xf32>,
        %get3A_179 = vector.shape_cast %get3A_178 : vector<1x16xf32> to vector<16xf32>
        %mul3A_180 = arith.mulf %get3A_174, %get3A_179 : vector<16xf32>
        %get3A_181 = arith.constant 1 : i32
        %get3A_182 = arith.index_cast %get3A_181 : i32 to index
        %get3A_183 = arith.constant 96 : index
        %get3A_184 = tpu.vector_load %arg7[%get3A_182, %get3A_183] {strides = array<i32>} : memref<2x128xf32, #tpu.memory_space<vmem>>, vector<1x16xf32>,
        %get3A_185 = vector.shape_cast %get3A_184 : vector<1x16xf32> to vector<16xf32>
        %add3A_186 = arith.addf %mul3A_180, %get3A_185 : vector<16xf32>
        %max3A_187 = arith.constant 0.000000e+00 : f32
        %max3A_188 = vector.broadcast %max3A_187 : f32 to vector<16xf32>
        %max3A_189 = arith.maximumf %add3A_186, %max3A_188 : vector<16xf32>
        %swap3A_190 = arith.index_cast %scan3A_29 : i32 to index
        %swap3A_191 = arith.constant 96 : index
        %swap3A_192 = tpu.vector_load %arg9[%swap3A_190, %swap3A_191] {strides = array<i32>} : memref<80x128xf32, #tpu.memory_space<vmem>>, vector<1x16xf32>,
        %swap3A_193 = vector.shape_cast %swap3A_192 : vector<1x16xf32> to vector<16xf32>
        %swap3A_194 = vector.shape_cast %max3A_189 : vector<16xf32> to vector<1x16xf32>
        tpu.vector_store %arg9[%swap3A_190, %swap3A_191], %swap3A_194 {strides = array<i32>} : memref<80x128xf32, #tpu.memory_space<vmem>>, vector<1x16xf32>,
        %get3A_195 = arith.index_cast %scan3A_29 : i32 to index
        %get3A_196 = arith.constant 112 : index
        %get3A_197 = tpu.vector_load %arg9[%get3A_195, %get3A_196] {strides = array<i32>} : memref<80x128xf32, #tpu.memory_space<vmem>>, vector<1x16xf32>,
        %get3A_198 = vector.shape_cast %get3A_197 : vector<1x16xf32> to vector<16xf32>
        %get3A_199 = arith.constant 0 : i32
        %get3A_200 = arith.index_cast %get3A_199 : i32 to index
        %get3A_201 = arith.constant 112 : index
        %get3A_202 = tpu.vector_load %arg7[%get3A_200, %get3A_201] {strides = array<i32>} : memref<2x128xf32, #tpu.memory_space<vmem>>, vector<1x16xf32>,
        %get3A_203 = vector.shape_cast %get3A_202 : vector<1x16xf32> to vector<16xf32>
        %mul3A_204 = arith.mulf %get3A_198, %get3A_203 : vector<16xf32>
        %get3A_205 = arith.constant 1 : i32
        %get3A_206 = arith.index_cast %get3A_205 : i32 to index
        %get3A_207 = arith.constant 112 : index
        %get3A_208 = tpu.vector_load %arg7[%get3A_206, %get3A_207] {strides = array<i32>} : memref<2x128xf32, #tpu.memory_space<vmem>>, vector<1x16xf32>,
        %get3A_209 = vector.shape_cast %get3A_208 : vector<1x16xf32> to vector<16xf32>
        %add3A_210 = arith.addf %mul3A_204, %get3A_209 : vector<16xf32>
        %max3A_211 = arith.constant 0.000000e+00 : f32
        %max3A_212 = vector.broadcast %max3A_211 : f32 to vector<16xf32>
        %max3A_213 = arith.maximumf %add3A_210, %max3A_212 : vector<16xf32>
        %swap3A_214 = arith.index_cast %scan3A_29 : i32 to index
        %swap3A_215 = arith.constant 112 : index
        %swap3A_216 = tpu.vector_load %arg9[%swap3A_214, %swap3A_215] {strides = array<i32>} : memref<80x128xf32, #tpu.memory_space<vmem>>, vector<1x16xf32>,
        %swap3A_217 = vector.shape_cast %swap3A_216 : vector<1x16xf32> to vector<16xf32>
        %swap3A_218 = vector.shape_cast %max3A_213 : vector<16xf32> to vector<1x16xf32>
        tpu.vector_store %arg9[%swap3A_214, %swap3A_215], %swap3A_218 {strides = array<i32>} : memref<80x128xf32, #tpu.memory_space<vmem>>, vector<1x16xf32>,
      }
      %scan3A_28 = arith.constant 80 : i32
      "tpu.region"() ({
        %run_scoped3A = tpu.sem_alloc : memref<!tpu.dma_semaphore, #tpu.memory_space<semaphore_mem>>
        %dma_start3A = arith.constant 0 : i32
        %dma_start3A_29 = arith.constant 0 : i32
        %dma_start3A_30 = tpu.memref_slice %arg10[%dma_start3A, %dma_start3A_29] : memref<10000x128xf32, #tpu.memory_space<vmem_shared>> -> memref<10000x128xf32, #tpu.memory_space<vmem_shared>>
        tpu.enqueue_indirect_dma source(%arg9 : memref<80x128xf32, #tpu.memory_space<vmem>>) target(%dma_start3A_30 : memref<10000x128xf32, #tpu.memory_space<vmem_shared>>) offsets(%arg8 : memref<80xi32, #tpu.memory_space<vmem>>) semaphore(%run_scoped3A : memref<!tpu.dma_semaphore, #tpu.memory_space<semaphore_mem>>) {add = true}
        %dma_wait3A = arith.constant 0 : i32
        %dma_wait3A_31 = arith.constant 0 : i32
        %dma_wait3A_32 = tpu.memref_slice %arg10[%dma_wait3A, %dma_wait3A_31] : memref<10000x128xf32, #tpu.memory_space<vmem_shared>> -> memref<10000x128xf32, #tpu.memory_space<vmem_shared>>
        tpu.wait_indirect_dma semaphore(%run_scoped3A : memref<!tpu.dma_semaphore, #tpu.memory_space<semaphore_mem>>) src(%arg9 : memref<80x128xf32, #tpu.memory_space<vmem>>) dst(%dma_wait3A_32 : memref<10000x128xf32, #tpu.memory_space<vmem_shared>>)
        tpu.yield
      }) : () -> ()
    }
    %scan3A_11 = arith.constant 125 : i32
    %barrier3A_12 = arith.constant 0 : index
    tpu.barrier barrier_id(%barrier3A_12)
    %lt3A_13 = arith.constant 10 : i32
    %lt3A_14 = arith.cmpi slt, %arg1, %lt3A_13 : i32
    %convert_element_type3A_15 = arith.extui %lt3A_14 : i1 to i32
    %cond3A_16 = arith.constant 0 : i32
    %cond3A_17 = arith.cmpi ne, %convert_element_type3A_15, %cond3A_16 : i32
    scf.if %cond3A_17 {
      "tpu.region"() ({
        %run_scoped3A = tpu.sem_alloc : memref<!tpu.dma_semaphore, #tpu.memory_space<semaphore_mem>>
        %dma_start3A = arith.constant 0 : i32
        %dma_start3A_18 = tpu.memref_slice %arg6[%arg0, %multiple_of3A, %dma_start3A] : memref<2x10000x128xf32, #tpu.memory_space<hbm>> -> memref<1x1000x128xf32, #tpu.memory_space<hbm>>
        %dma_start3A_19 = tpu.memref_squeeze %dma_start3A_18 : memref<1x1000x128xf32, #tpu.memory_space<hbm>> -> memref<1000x128xf32, #tpu.memory_space<hbm>>
        %dma_start3A_20 = arith.constant 0 : i32
        %dma_start3A_21 = tpu.memref_slice %arg10[%multiple_of3A, %dma_start3A_20] : memref<10000x128xf32, #tpu.memory_space<vmem_shared>> -> memref<1000x128xf32, #tpu.memory_space<vmem_shared>>
        tpu.enqueue_dma source(%dma_start3A_21 : memref<1000x128xf32, #tpu.memory_space<vmem_shared>>) target(%dma_start3A_19 : memref<1000x128xf32, #tpu.memory_space<hbm>>) target_semaphore(%run_scoped3A : memref<!tpu.dma_semaphore, #tpu.memory_space<semaphore_mem>>)
        %dma_wait3A = arith.constant 0 : i32
        %dma_wait3A_22 = tpu.memref_slice %arg6[%arg0, %multiple_of3A, %dma_wait3A] : memref<2x10000x128xf32, #tpu.memory_space<hbm>> -> memref<1x1000x128xf32, #tpu.memory_space<hbm>>
        %dma_wait3A_23 = tpu.memref_squeeze %dma_wait3A_22 : memref<1x1000x128xf32, #tpu.memory_space<hbm>> -> memref<1000x128xf32, #tpu.memory_space<hbm>>
        %dma_wait3A_24 = arith.constant 0 : i32
        %dma_wait3A_25 = tpu.memref_slice %arg10[%multiple_of3A, %dma_wait3A_24] : memref<10000x128xf32, #tpu.memory_space<vmem_shared>> -> memref<1000x128xf32, #tpu.memory_space<vmem_shared>>
        tpu.wait_dma2 semaphore(%run_scoped3A : memref<!tpu.dma_semaphore, #tpu.memory_space<semaphore_mem>>) src(%dma_wait3A_25 : memref<1000x128xf32, #tpu.memory_space<vmem_shared>>) dst(%dma_wait3A_23 : memref<1000x128xf32, #tpu.memory_space<hbm>>)
        tpu.yield
      }) : () -> ()
    } else {
    }
    return
  }
}

#map = affine_map<(d0, d1) -> (0, 0)>
#map1 = affine_map<(d0, d1) -> (0)>
module attributes {stable_mosaic.version = 14 : i64} {
  func.func @_gather_body(%arg0: i32, %arg1: i32, %arg2: memref<10000x128xf32, #tpu.memory_space<hbm>>, %arg3: memref<10000x128xf32, #tpu.memory_space<hbm>>, %arg4: memref<320000xi32, #tpu.memory_space<hbm>>, %arg5: memref<320000xi32, #tpu.memory_space<hbm>>, %arg6: memref<320000x128xf32, #tpu.memory_space<hbm>>, %arg7: memref<80xi32, #tpu.memory_space<vmem>>, %arg8: memref<80xi32, #tpu.memory_space<vmem>>, %arg9: memref<80x128xf32, #tpu.memory_space<vmem>>, %arg10: memref<!tpu.dma_semaphore, #tpu.memory_space<semaphore_mem>>) attributes {dimension_semantics = [#tpu.dimension_semantics<core_parallel>, #tpu.dimension_semantics<subcore_parallel>], iteration_bounds = array<i64: 2, 16>, scalar_prefetch = 0 : i64, scratch_operands = 4 : i64, tpu.core_type = #tpu.core_type<sc_vector_subcore>, window_params = [{transform_indices = #map}, {transform_indices = #map}, {transform_indices = #map1}, {transform_indices = #map1}, {transform_indices = #map}]} {
    %mul3A = arith.constant 2 : i32
    %mul3A_0 = arith.muli %arg1, %mul3A : i32
    %add3A = arith.addi %mul3A_0, %arg0 : i32
    %mul3A_1 = arith.constant 10000 : i32
    %mul3A_2 = arith.muli %add3A, %mul3A_1 : i32
    %scan3A = arith.constant 0 : i32
    %scan3A_3 = arith.constant 0 : i32
    %scan3A_4 = arith.constant 125 : i32
    %scan3A_5 = arith.addi %scan3A_3, %scan3A_4 : i32
    %scan3A_6 = arith.constant 1 : i32
    scf.for %scan3A_8 = %scan3A_3 to %scan3A_5 step %scan3A_6  : i32 {
      %mul3A_9 = arith.constant 80 : i32
      %mul3A_10 = arith.muli %scan3A_8, %mul3A_9 : i32
      %add3A_11 = arith.addi %mul3A_2, %mul3A_10 : i32
      %multiple_of3A = tpu.assume_multiple %add3A_11, 8 : i32
      "tpu.region"() ({
        %run_scoped3A = tpu.sem_alloc : memref<!tpu.dma_semaphore, #tpu.memory_space<semaphore_mem>>
        %dma_start3A_22 = tpu.memref_slice %arg4[%multiple_of3A] : memref<320000xi32, #tpu.memory_space<hbm>> -> memref<80xi32, #tpu.memory_space<hbm>>
        %dma_start3A_23 = tpu.memref_slice %arg4[%multiple_of3A] : memref<320000xi32, #tpu.memory_space<hbm>> -> memref<80xi32, #tpu.memory_space<hbm>>
        tpu.enqueue_dma source(%dma_start3A_23 : memref<80xi32, #tpu.memory_space<hbm>>) target(%arg7 : memref<80xi32, #tpu.memory_space<vmem>>) target_semaphore(%run_scoped3A : memref<!tpu.dma_semaphore, #tpu.memory_space<semaphore_mem>>)
        %dma_wait3A_24 = tpu.memref_slice %arg4[%multiple_of3A] : memref<320000xi32, #tpu.memory_space<hbm>> -> memref<80xi32, #tpu.memory_space<hbm>>
        %dma_wait3A_25 = tpu.memref_slice %arg4[%multiple_of3A] : memref<320000xi32, #tpu.memory_space<hbm>> -> memref<80xi32, #tpu.memory_space<hbm>>
        tpu.wait_dma2 semaphore(%run_scoped3A : memref<!tpu.dma_semaphore, #tpu.memory_space<semaphore_mem>>) src(%dma_wait3A_25 : memref<80xi32, #tpu.memory_space<hbm>>) dst(%arg7 : memref<80xi32, #tpu.memory_space<vmem>>)
        tpu.yield
      }) : () -> ()
      "tpu.region"() ({
        %run_scoped3A = tpu.sem_alloc : memref<!tpu.dma_semaphore, #tpu.memory_space<semaphore_mem>>
        %dma_start3A_22 = tpu.memref_slice %arg5[%multiple_of3A] : memref<320000xi32, #tpu.memory_space<hbm>> -> memref<80xi32, #tpu.memory_space<hbm>>
        %dma_start3A_23 = tpu.memref_slice %arg5[%multiple_of3A] : memref<320000xi32, #tpu.memory_space<hbm>> -> memref<80xi32, #tpu.memory_space<hbm>>
        tpu.enqueue_dma source(%dma_start3A_23 : memref<80xi32, #tpu.memory_space<hbm>>) target(%arg8 : memref<80xi32, #tpu.memory_space<vmem>>) target_semaphore(%run_scoped3A : memref<!tpu.dma_semaphore, #tpu.memory_space<semaphore_mem>>)
        %dma_wait3A_24 = tpu.memref_slice %arg5[%multiple_of3A] : memref<320000xi32, #tpu.memory_space<hbm>> -> memref<80xi32, #tpu.memory_space<hbm>>
        %dma_wait3A_25 = tpu.memref_slice %arg5[%multiple_of3A] : memref<320000xi32, #tpu.memory_space<hbm>> -> memref<80xi32, #tpu.memory_space<hbm>>
        tpu.wait_dma2 semaphore(%run_scoped3A : memref<!tpu.dma_semaphore, #tpu.memory_space<semaphore_mem>>) src(%dma_wait3A_25 : memref<80xi32, #tpu.memory_space<hbm>>) dst(%arg8 : memref<80xi32, #tpu.memory_space<vmem>>)
        tpu.yield
      }) : () -> ()
      %dma_start3A = arith.constant 0 : i32
      %dma_start3A_12 = arith.constant 0 : i32
      %dma_start3A_13 = tpu.memref_slice %arg2[%dma_start3A, %dma_start3A_12] : memref<10000x128xf32, #tpu.memory_space<hbm>> -> memref<10000x128xf32, #tpu.memory_space<hbm>>
      tpu.enqueue_indirect_dma source(%dma_start3A_13 : memref<10000x128xf32, #tpu.memory_space<hbm>>) target(%arg9 : memref<80x128xf32, #tpu.memory_space<vmem>>) offsets(%arg7 : memref<80xi32, #tpu.memory_space<vmem>>) semaphore(%arg10 : memref<!tpu.dma_semaphore, #tpu.memory_space<semaphore_mem>>)
      %dma_wait3A = arith.constant 0 : i32
      %dma_wait3A_14 = arith.constant 0 : i32
      %dma_wait3A_15 = tpu.memref_slice %arg2[%dma_wait3A, %dma_wait3A_14] : memref<10000x128xf32, #tpu.memory_space<hbm>> -> memref<10000x128xf32, #tpu.memory_space<hbm>>
      tpu.wait_indirect_dma semaphore(%arg10 : memref<!tpu.dma_semaphore, #tpu.memory_space<semaphore_mem>>) src(%dma_wait3A_15 : memref<10000x128xf32, #tpu.memory_space<hbm>>) dst(%arg9 : memref<80x128xf32, #tpu.memory_space<vmem>>)
      %dma_start3A_16 = arith.constant 0 : i32
      %dma_start3A_17 = arith.constant 0 : i32
      %dma_start3A_18 = tpu.memref_slice %arg3[%dma_start3A_16, %dma_start3A_17] : memref<10000x128xf32, #tpu.memory_space<hbm>> -> memref<10000x128xf32, #tpu.memory_space<hbm>>
      tpu.enqueue_indirect_dma source(%dma_start3A_18 : memref<10000x128xf32, #tpu.memory_space<hbm>>) target(%arg9 : memref<80x128xf32, #tpu.memory_space<vmem>>) offsets(%arg8 : memref<80xi32, #tpu.memory_space<vmem>>) semaphore(%arg10 : memref<!tpu.dma_semaphore, #tpu.memory_space<semaphore_mem>>) {add = true}
      %dma_wait3A_19 = arith.constant 0 : i32
      %dma_wait3A_20 = arith.constant 0 : i32
      %dma_wait3A_21 = tpu.memref_slice %arg3[%dma_wait3A_19, %dma_wait3A_20] : memref<10000x128xf32, #tpu.memory_space<hbm>> -> memref<10000x128xf32, #tpu.memory_space<hbm>>
      tpu.wait_indirect_dma semaphore(%arg10 : memref<!tpu.dma_semaphore, #tpu.memory_space<semaphore_mem>>) src(%dma_wait3A_21 : memref<10000x128xf32, #tpu.memory_space<hbm>>) dst(%arg9 : memref<80x128xf32, #tpu.memory_space<vmem>>)
      "tpu.region"() ({
        %run_scoped3A = tpu.sem_alloc : memref<!tpu.dma_semaphore, #tpu.memory_space<semaphore_mem>>
        %dma_start3A_22 = arith.constant 0 : i32
        %dma_start3A_23 = tpu.memref_slice %arg6[%multiple_of3A, %dma_start3A_22] : memref<320000x128xf32, #tpu.memory_space<hbm>> -> memref<80x128xf32, #tpu.memory_space<hbm>>
        %dma_start3A_24 = arith.constant 0 : i32
        %dma_start3A_25 = tpu.memref_slice %arg6[%multiple_of3A, %dma_start3A_24] : memref<320000x128xf32, #tpu.memory_space<hbm>> -> memref<80x128xf32, #tpu.memory_space<hbm>>
        tpu.enqueue_dma source(%arg9 : memref<80x128xf32, #tpu.memory_space<vmem>>) target(%dma_start3A_25 : memref<80x128xf32, #tpu.memory_space<hbm>>) target_semaphore(%run_scoped3A : memref<!tpu.dma_semaphore, #tpu.memory_space<semaphore_mem>>)
        %dma_wait3A_26 = arith.constant 0 : i32
        %dma_wait3A_27 = tpu.memref_slice %arg6[%multiple_of3A, %dma_wait3A_26] : memref<320000x128xf32, #tpu.memory_space<hbm>> -> memref<80x128xf32, #tpu.memory_space<hbm>>
        %dma_wait3A_28 = arith.constant 0 : i32
        %dma_wait3A_29 = tpu.memref_slice %arg6[%multiple_of3A, %dma_wait3A_28] : memref<320000x128xf32, #tpu.memory_space<hbm>> -> memref<80x128xf32, #tpu.memory_space<hbm>>
        tpu.wait_dma2 semaphore(%run_scoped3A : memref<!tpu.dma_semaphore, #tpu.memory_space<semaphore_mem>>) src(%arg9 : memref<80x128xf32, #tpu.memory_space<vmem>>) dst(%dma_wait3A_29 : memref<80x128xf32, #tpu.memory_space<hbm>>)
        tpu.yield
      }) : () -> ()
    }
    %scan3A_7 = arith.constant 125 : i32
    return
  }
}

module attributes {stable_mosaic.version = 14 : i64} {
  func.func @_msg_body(%arg0: i32, %arg1: memref<2000x128xf32, #tpu.memory_space<vmem>>, %arg2: memref<2000x16xf32, #tpu.memory_space<vmem>>, %arg3: memref<2000x128xf32, #tpu.memory_space<vmem>>, %arg4: memref<128x128xf32, #tpu.memory_space<vmem>>, %arg5: memref<16x128xf32, #tpu.memory_space<vmem>>, %arg6: memref<2000x128xf32, #tpu.memory_space<vmem>>, %arg7: memref<2x128xf32, #tpu.memory_space<vmem>>) attributes {dimension_semantics = [#tpu.dimension_semantics<arbitrary>], iteration_bounds = array<i64: 160>, scalar_prefetch = 0 : i64, scratch_operands = 0 : i64, tpu.core_type = #tpu.core_type<tc>, window_params = [{transform_indices = @transform_0, window_bounds = array<i64: 2000, 128>}, {transform_indices = @transform_1, window_bounds = array<i64: 2000, 16>}, {transform_indices = @transform_2, window_bounds = array<i64: 2000, 128>}, {pipeline_mode = #tpu.pipeline_mode<synchronous>, transform_indices = @transform_3, window_bounds = array<i64: 128, 128>}, {pipeline_mode = #tpu.pipeline_mode<synchronous>, transform_indices = @transform_4, window_bounds = array<i64: 16, 128>}, {transform_indices = @transform_5, window_bounds = array<i64: 2000, 128>}, {pipeline_mode = #tpu.pipeline_mode<synchronous>, transform_indices = @transform_6, window_bounds = array<i64: 2, 128>}]} {
    %get3A = arith.constant 0 : index
    %get3A_0 = arith.constant 0 : index
    %get3A_1 = vector.load %arg1[%get3A, %get3A_0] : memref<2000x128xf32, #tpu.memory_space<vmem>>, vector<2000x128xf32>
    %get3A_2 = arith.constant 0 : index
    %get3A_3 = arith.constant 0 : index
    %get3A_4 = vector.load %arg4[%get3A_2, %get3A_3] : memref<128x128xf32, #tpu.memory_space<vmem>>, vector<128x128xf32>
    %dot_general3A = arith.constant dense<0.000000e+00> : vector<2000x128xf32>
    %dot_general3A_5 = tpu.matmul %get3A_1, %get3A_4, %dot_general3A {dimension_numbers = #tpu.dot_dimension_numbers<[1], [0], [0], [1], [0, 0, 1, 1], [], []>, transpose_lhs_hint = false} : vector<2000x128xf32>, vector<128x128xf32>, vector<2000x128xf32> -> vector<2000x128xf32>
    %get3A_6 = arith.constant 0 : index
    %get3A_7 = arith.constant 0 : index
    %get3A_8 = vector.load %arg2[%get3A_6, %get3A_7] : memref<2000x16xf32, #tpu.memory_space<vmem>>, vector<2000x16xf32>
    %get3A_9 = arith.constant 0 : index
    %get3A_10 = arith.constant 0 : index
    %get3A_11 = vector.load %arg5[%get3A_9, %get3A_10] : memref<16x128xf32, #tpu.memory_space<vmem>>, vector<16x128xf32>
    %dot_general3A_12 = arith.constant dense<0.000000e+00> : vector<2000x128xf32>
    %dot_general3A_13 = tpu.matmul %get3A_8, %get3A_11, %dot_general3A_12 {dimension_numbers = #tpu.dot_dimension_numbers<[1], [0], [0], [1], [0, 0, 1, 1], [], []>, transpose_lhs_hint = false} : vector<2000x16xf32>, vector<16x128xf32>, vector<2000x128xf32> -> vector<2000x128xf32>
    %add3A = arith.addf %dot_general3A_5, %dot_general3A_13 : vector<2000x128xf32>
    %get3A_14 = arith.constant 0 : index
    %get3A_15 = arith.constant 0 : index
    %get3A_16 = vector.load %arg3[%get3A_14, %get3A_15] : memref<2000x128xf32, #tpu.memory_space<vmem>>, vector<2000x128xf32>
    %add3A_17 = arith.addf %add3A, %get3A_16 : vector<2000x128xf32>
    %swap3A = arith.constant 0 : index
    %swap3A_18 = arith.constant 0 : index
    %swap3A_19 = vector.load %arg6[%swap3A, %swap3A_18] : memref<2000x128xf32, #tpu.memory_space<vmem>>, vector<2000x128xf32>
    tpu.vector_store %arg6[%swap3A, %swap3A_18], %add3A_17 {strides = array<i32>} : memref<2000x128xf32, #tpu.memory_space<vmem>>, vector<2000x128xf32>,
    %reduce_sum3A = arith.constant dense<0.000000e+00> : vector<128xf32>
    %reduce_sum3A_20 = vector.multi_reduction <add>, %add3A_17, %reduce_sum3A [0] : vector<2000x128xf32> to vector<128xf32>
    %mul3A = arith.mulf %add3A_17, %add3A_17 : vector<2000x128xf32>
    %reduce_sum3A_21 = arith.constant dense<0.000000e+00> : vector<128xf32>
    %reduce_sum3A_22 = vector.multi_reduction <add>, %mul3A, %reduce_sum3A_21 [0] : vector<2000x128xf32> to vector<128xf32>
    %stack3A = vector.shape_cast %reduce_sum3A_20 : vector<128xf32> to vector<1x128xf32>
    %stack3A_23 = vector.shape_cast %reduce_sum3A_22 : vector<128xf32> to vector<1x128xf32>
    %stack3A_24 = tpu.concatenate %stack3A, %stack3A_23 in 0 : vector<1x128xf32>, vector<1x128xf32> -> vector<2x128xf32>
    %eq3A = arith.constant 0 : i32
    %eq3A_25 = arith.cmpi eq, %arg0, %eq3A : i32
    %convert_element_type3A = arith.extui %eq3A_25 : i1 to i32
    %cond3A = arith.constant 0 : i32
    %cond3A_26 = arith.cmpi ne, %convert_element_type3A, %cond3A : i32
    scf.if %cond3A_26 {
      %broadcast_in_dim3A = arith.constant 0.000000e+00 : f32
      %broadcast_in_dim3A_34 = vector.broadcast %broadcast_in_dim3A : f32 to vector<2x128xf32>
      %swap3A_35 = arith.constant 0 : index
      %swap3A_36 = arith.constant 0 : index
      %swap3A_37 = vector.load %arg7[%swap3A_35, %swap3A_36] : memref<2x128xf32, #tpu.memory_space<vmem>>, vector<2x128xf32>
      tpu.vector_store %arg7[%swap3A_35, %swap3A_36], %broadcast_in_dim3A_34 {strides = array<i32>} : memref<2x128xf32, #tpu.memory_space<vmem>>, vector<2x128xf32>,
    } else {
    }
    %get3A_27 = arith.constant 0 : index
    %get3A_28 = arith.constant 0 : index
    %get3A_29 = vector.load %arg7[%get3A_27, %get3A_28] : memref<2x128xf32, #tpu.memory_space<vmem>>, vector<2x128xf32>
    %add3A_30 = arith.addf %get3A_29, %stack3A_24 : vector<2x128xf32>
    %swap3A_31 = arith.constant 0 : index
    %swap3A_32 = arith.constant 0 : index
    %swap3A_33 = vector.load %arg7[%swap3A_31, %swap3A_32] : memref<2x128xf32, #tpu.memory_space<vmem>>, vector<2x128xf32>
    tpu.vector_store %arg7[%swap3A_31, %swap3A_32], %add3A_30 {strides = array<i32>} : memref<2x128xf32, #tpu.memory_space<vmem>>, vector<2x128xf32>,
    return
  }
  func.func @transform_0(%arg0: i32) -> (i32, i32) {
    %c0_i32 = arith.constant 0 : i32
    %c0_i32_0 = arith.constant 0 : i32
    return %arg0, %c0_i32 : i32, i32
  }
  func.func @transform_1(%arg0: i32) -> (i32, i32) {
    %c0_i32 = arith.constant 0 : i32
    %c0_i32_0 = arith.constant 0 : i32
    return %arg0, %c0_i32 : i32, i32
  }
  func.func @transform_2(%arg0: i32) -> (i32, i32) {
    %c0_i32 = arith.constant 0 : i32
    %c0_i32_0 = arith.constant 0 : i32
    return %arg0, %c0_i32 : i32, i32
  }
  func.func @transform_3(%arg0: i32) -> (i32, i32) {
    %c0_i32 = arith.constant 0 : i32
    %c0_i32_0 = arith.constant 0 : i32
    %c0_i32_1 = arith.constant 0 : i32
    return %c0_i32, %c0_i32_0 : i32, i32
  }
  func.func @transform_4(%arg0: i32) -> (i32, i32) {
    %c0_i32 = arith.constant 0 : i32
    %c0_i32_0 = arith.constant 0 : i32
    %c0_i32_1 = arith.constant 0 : i32
    return %c0_i32, %c0_i32_0 : i32, i32
  }
  func.func @transform_5(%arg0: i32) -> (i32, i32) {
    %c0_i32 = arith.constant 0 : i32
    %c0_i32_0 = arith.constant 0 : i32
    return %arg0, %c0_i32 : i32, i32
  }
  func.func @transform_6(%arg0: i32) -> (i32, i32) {
    %c0_i32 = arith.constant 0 : i32
    %c0_i32_0 = arith.constant 0 : i32
    %c0_i32_1 = arith.constant 0 : i32
    return %c0_i32, %c0_i32_0 : i32, i32
  }
}

module attributes {stable_mosaic.version = 14 : i64} {
  func.func @_ab_body(%arg0: memref<10000x128xf32, #tpu.memory_space<vmem>>, %arg1: memref<128x128xf32, #tpu.memory_space<vmem>>, %arg2: memref<128x128xf32, #tpu.memory_space<vmem>>, %arg3: memref<10000x128xf32, #tpu.memory_space<vmem>>, %arg4: memref<10000x128xf32, #tpu.memory_space<vmem>>) attributes {dimension_semantics = [], scalar_prefetch = 0 : i64, scratch_operands = 0 : i64, tpu.core_type = #tpu.core_type<tc>} {
    %get3A = arith.constant 0 : index
    %get3A_0 = arith.constant 0 : index
    %get3A_1 = vector.load %arg0[%get3A, %get3A_0] : memref<10000x128xf32, #tpu.memory_space<vmem>>, vector<10000x128xf32>
    %get3A_2 = arith.constant 0 : index
    %get3A_3 = arith.constant 0 : index
    %get3A_4 = vector.load %arg1[%get3A_2, %get3A_3] : memref<128x128xf32, #tpu.memory_space<vmem>>, vector<128x128xf32>
    %dot_general3A = arith.constant dense<0.000000e+00> : vector<10000x128xf32>
    %dot_general3A_5 = tpu.matmul %get3A_1, %get3A_4, %dot_general3A {dimension_numbers = #tpu.dot_dimension_numbers<[1], [0], [0], [1], [0, 0, 1, 1], [], []>, transpose_lhs_hint = false} : vector<10000x128xf32>, vector<128x128xf32>, vector<10000x128xf32> -> vector<10000x128xf32>
    %swap3A = arith.constant 0 : index
    %swap3A_6 = arith.constant 0 : index
    %swap3A_7 = vector.load %arg3[%swap3A, %swap3A_6] : memref<10000x128xf32, #tpu.memory_space<vmem>>, vector<10000x128xf32>
    tpu.vector_store %arg3[%swap3A, %swap3A_6], %dot_general3A_5 {strides = array<i32>} : memref<10000x128xf32, #tpu.memory_space<vmem>>, vector<10000x128xf32>,
    %get3A_8 = arith.constant 0 : index
    %get3A_9 = arith.constant 0 : index
    %get3A_10 = vector.load %arg2[%get3A_8, %get3A_9] : memref<128x128xf32, #tpu.memory_space<vmem>>, vector<128x128xf32>
    %dot_general3A_11 = arith.constant dense<0.000000e+00> : vector<10000x128xf32>
    %dot_general3A_12 = tpu.matmul %get3A_1, %get3A_10, %dot_general3A_11 {dimension_numbers = #tpu.dot_dimension_numbers<[1], [0], [0], [1], [0, 0, 1, 1], [], []>, transpose_lhs_hint = false} : vector<10000x128xf32>, vector<128x128xf32>, vector<10000x128xf32> -> vector<10000x128xf32>
    %swap3A_13 = arith.constant 0 : index
    %swap3A_14 = arith.constant 0 : index
    %swap3A_15 = vector.load %arg4[%swap3A_13, %swap3A_14] : memref<10000x128xf32, #tpu.memory_space<vmem>>, vector<10000x128xf32>
    tpu.vector_store %arg4[%swap3A_13, %swap3A_14], %dot_general3A_12 {strides = array<i32>} : memref<10000x128xf32, #tpu.memory_space<vmem>>, vector<10000x128xf32>,
    return
  }
}

module attributes {stable_mosaic.version = 14 : i64} {
  func.func @_mlp1_body(%arg0: i32, %arg1: memref<2x2000x128xf32, #tpu.memory_space<vmem>>, %arg2: memref<128x256xf32, #tpu.memory_space<vmem>>, %arg3: memref<2000x256xf32, #tpu.memory_space<vmem>>, %arg4: memref<2x256xf32, #tpu.memory_space<vmem>>) attributes {dimension_semantics = [#tpu.dimension_semantics<arbitrary>], iteration_bounds = array<i64: 5>, scalar_prefetch = 0 : i64, scratch_operands = 0 : i64, tpu.core_type = #tpu.core_type<tc>, window_params = [{transform_indices = @transform_0, window_bounds = array<i64: 2, 2000, 128>}, {pipeline_mode = #tpu.pipeline_mode<synchronous>, transform_indices = @transform_1, window_bounds = array<i64: 128, 256>}, {transform_indices = @transform_2, window_bounds = array<i64: 2000, 256>}, {pipeline_mode = #tpu.pipeline_mode<synchronous>, transform_indices = @transform_3, window_bounds = array<i64: 2, 256>}]} {
    %get3A = arith.constant 0 : index
    %get3A_0 = arith.constant 0 : index
    %get3A_1 = arith.constant 0 : index
    %get3A_2 = vector.load %arg1[%get3A, %get3A_0, %get3A_1] : memref<2x2000x128xf32, #tpu.memory_space<vmem>>, vector<1x2000x128xf32>
    %get3A_3 = vector.shape_cast %get3A_2 : vector<1x2000x128xf32> to vector<2000x128xf32>
    %get3A_4 = arith.constant 1 : index
    %get3A_5 = arith.constant 0 : index
    %get3A_6 = arith.constant 0 : index
    %get3A_7 = vector.load %arg1[%get3A_4, %get3A_5, %get3A_6] : memref<2x2000x128xf32, #tpu.memory_space<vmem>>, vector<1x2000x128xf32>
    %get3A_8 = vector.shape_cast %get3A_7 : vector<1x2000x128xf32> to vector<2000x128xf32>
    %add3A = arith.addf %get3A_3, %get3A_8 : vector<2000x128xf32>
    %get3A_9 = arith.constant 0 : index
    %get3A_10 = arith.constant 0 : index
    %get3A_11 = vector.load %arg2[%get3A_9, %get3A_10] : memref<128x256xf32, #tpu.memory_space<vmem>>, vector<128x256xf32>
    %dot_general3A = arith.constant dense<0.000000e+00> : vector<2000x256xf32>
    %dot_general3A_12 = tpu.matmul %add3A, %get3A_11, %dot_general3A {dimension_numbers = #tpu.dot_dimension_numbers<[1], [0], [0], [1], [0, 0, 1, 1], [], []>, transpose_lhs_hint = false} : vector<2000x128xf32>, vector<128x256xf32>, vector<2000x256xf32> -> vector<2000x256xf32>
    %swap3A = arith.constant 0 : index
    %swap3A_13 = arith.constant 0 : index
    %swap3A_14 = vector.load %arg3[%swap3A, %swap3A_13] : memref<2000x256xf32, #tpu.memory_space<vmem>>, vector<2000x256xf32>
    tpu.vector_store %arg3[%swap3A, %swap3A_13], %dot_general3A_12 {strides = array<i32>} : memref<2000x256xf32, #tpu.memory_space<vmem>>, vector<2000x256xf32>,
    %reduce_sum3A = arith.constant dense<0.000000e+00> : vector<256xf32>
    %reduce_sum3A_15 = vector.multi_reduction <add>, %dot_general3A_12, %reduce_sum3A [0] : vector<2000x256xf32> to vector<256xf32>
    %mul3A = arith.mulf %dot_general3A_12, %dot_general3A_12 : vector<2000x256xf32>
    %reduce_sum3A_16 = arith.constant dense<0.000000e+00> : vector<256xf32>
    %reduce_sum3A_17 = vector.multi_reduction <add>, %mul3A, %reduce_sum3A_16 [0] : vector<2000x256xf32> to vector<256xf32>
    %stack3A = vector.shape_cast %reduce_sum3A_15 : vector<256xf32> to vector<1x256xf32>
    %stack3A_18 = vector.shape_cast %reduce_sum3A_17 : vector<256xf32> to vector<1x256xf32>
    %stack3A_19 = tpu.concatenate %stack3A, %stack3A_18 in 0 : vector<1x256xf32>, vector<1x256xf32> -> vector<2x256xf32>
    %eq3A = arith.constant 0 : i32
    %eq3A_20 = arith.cmpi eq, %arg0, %eq3A : i32
    %convert_element_type3A = arith.extui %eq3A_20 : i1 to i32
    %cond3A = arith.constant 0 : i32
    %cond3A_21 = arith.cmpi ne, %convert_element_type3A, %cond3A : i32
    scf.if %cond3A_21 {
      %broadcast_in_dim3A = arith.constant 0.000000e+00 : f32
      %broadcast_in_dim3A_29 = vector.broadcast %broadcast_in_dim3A : f32 to vector<2x256xf32>
      %swap3A_30 = arith.constant 0 : index
      %swap3A_31 = arith.constant 0 : index
      %swap3A_32 = vector.load %arg4[%swap3A_30, %swap3A_31] : memref<2x256xf32, #tpu.memory_space<vmem>>, vector<2x256xf32>
      tpu.vector_store %arg4[%swap3A_30, %swap3A_31], %broadcast_in_dim3A_29 {strides = array<i32>} : memref<2x256xf32, #tpu.memory_space<vmem>>, vector<2x256xf32>,
    } else {
    }
    %get3A_22 = arith.constant 0 : index
    %get3A_23 = arith.constant 0 : index
    %get3A_24 = vector.load %arg4[%get3A_22, %get3A_23] : memref<2x256xf32, #tpu.memory_space<vmem>>, vector<2x256xf32>
    %add3A_25 = arith.addf %get3A_24, %stack3A_19 : vector<2x256xf32>
    %swap3A_26 = arith.constant 0 : index
    %swap3A_27 = arith.constant 0 : index
    %swap3A_28 = vector.load %arg4[%swap3A_26, %swap3A_27] : memref<2x256xf32, #tpu.memory_space<vmem>>, vector<2x256xf32>
    tpu.vector_store %arg4[%swap3A_26, %swap3A_27], %add3A_25 {strides = array<i32>} : memref<2x256xf32, #tpu.memory_space<vmem>>, vector<2x256xf32>,
    return
  }
  func.func @transform_0(%arg0: i32) -> (i32, i32, i32) {
    %c0_i32 = arith.constant 0 : i32
    %c0_i32_0 = arith.constant 0 : i32
    %c0_i32_1 = arith.constant 0 : i32
    return %c0_i32, %arg0, %c0_i32_0 : i32, i32, i32
  }
  func.func @transform_1(%arg0: i32) -> (i32, i32) {
    %c0_i32 = arith.constant 0 : i32
    %c0_i32_0 = arith.constant 0 : i32
    %c0_i32_1 = arith.constant 0 : i32
    return %c0_i32, %c0_i32_0 : i32, i32
  }
  func.func @transform_2(%arg0: i32) -> (i32, i32) {
    %c0_i32 = arith.constant 0 : i32
    %c0_i32_0 = arith.constant 0 : i32
    return %arg0, %c0_i32 : i32, i32
  }
  func.func @transform_3(%arg0: i32) -> (i32, i32) {
    %c0_i32 = arith.constant 0 : i32
    %c0_i32_0 = arith.constant 0 : i32
    %c0_i32_1 = arith.constant 0 : i32
    return %c0_i32, %c0_i32_0 : i32, i32
  }
}

module attributes {stable_mosaic.version = 14 : i64} {
  func.func @_mlp2_body(%arg0: i32, %arg1: memref<2000x256xf32, #tpu.memory_space<vmem>>, %arg2: memref<2x256xf32, #tpu.memory_space<vmem>>, %arg3: memref<256x256xf32, #tpu.memory_space<vmem>>, %arg4: memref<2000x256xf32, #tpu.memory_space<vmem>>, %arg5: memref<2x256xf32, #tpu.memory_space<vmem>>) attributes {dimension_semantics = [#tpu.dimension_semantics<arbitrary>], iteration_bounds = array<i64: 5>, scalar_prefetch = 0 : i64, scratch_operands = 0 : i64, tpu.core_type = #tpu.core_type<tc>, window_params = [{transform_indices = @transform_0, window_bounds = array<i64: 2000, 256>}, {pipeline_mode = #tpu.pipeline_mode<synchronous>, transform_indices = @transform_1, window_bounds = array<i64: 2, 256>}, {pipeline_mode = #tpu.pipeline_mode<synchronous>, transform_indices = @transform_2, window_bounds = array<i64: 256, 256>}, {transform_indices = @transform_3, window_bounds = array<i64: 2000, 256>}, {pipeline_mode = #tpu.pipeline_mode<synchronous>, transform_indices = @transform_4, window_bounds = array<i64: 2, 256>}]} {
    %get3A = arith.constant 0 : index
    %get3A_0 = arith.constant 0 : index
    %get3A_1 = vector.load %arg1[%get3A, %get3A_0] : memref<2000x256xf32, #tpu.memory_space<vmem>>, vector<2000x256xf32>
    %get3A_2 = arith.constant 0 : index
    %get3A_3 = arith.constant 0 : index
    %get3A_4 = vector.load %arg2[%get3A_2, %get3A_3] : memref<2x256xf32, #tpu.memory_space<vmem>>, vector<1x256xf32>
    %get3A_5 = vector.shape_cast %get3A_4 : vector<1x256xf32> to vector<256xf32>
    %broadcast_in_dim3A = vector.shape_cast %get3A_5 : vector<256xf32> to vector<1x256xf32>
    %mul3A = vector.broadcast %broadcast_in_dim3A : vector<1x256xf32> to vector<2000x256xf32>
    %mul3A_6 = arith.mulf %get3A_1, %mul3A : vector<2000x256xf32>
    %get3A_7 = arith.constant 1 : index
    %get3A_8 = arith.constant 0 : index
    %get3A_9 = vector.load %arg2[%get3A_7, %get3A_8] : memref<2x256xf32, #tpu.memory_space<vmem>>, vector<1x256xf32>
    %get3A_10 = vector.shape_cast %get3A_9 : vector<1x256xf32> to vector<256xf32>
    %broadcast_in_dim3A_11 = vector.shape_cast %get3A_10 : vector<256xf32> to vector<1x256xf32>
    %add3A = vector.broadcast %broadcast_in_dim3A_11 : vector<1x256xf32> to vector<2000x256xf32>
    %add3A_12 = arith.addf %mul3A_6, %add3A : vector<2000x256xf32>
    %max3A = arith.constant 0.000000e+00 : f32
    %max3A_13 = vector.broadcast %max3A : f32 to vector<2000x256xf32>
    %max3A_14 = arith.maximumf %add3A_12, %max3A_13 : vector<2000x256xf32>
    %get3A_15 = arith.constant 0 : index
    %get3A_16 = arith.constant 0 : index
    %get3A_17 = vector.load %arg3[%get3A_15, %get3A_16] : memref<256x256xf32, #tpu.memory_space<vmem>>, vector<256x256xf32>
    %dot_general3A = arith.constant dense<0.000000e+00> : vector<2000x256xf32>
    %dot_general3A_18 = tpu.matmul %max3A_14, %get3A_17, %dot_general3A {dimension_numbers = #tpu.dot_dimension_numbers<[1], [0], [0], [1], [0, 0, 1, 1], [], []>, transpose_lhs_hint = false} : vector<2000x256xf32>, vector<256x256xf32>, vector<2000x256xf32> -> vector<2000x256xf32>
    %swap3A = arith.constant 0 : index
    %swap3A_19 = arith.constant 0 : index
    %swap3A_20 = vector.load %arg4[%swap3A, %swap3A_19] : memref<2000x256xf32, #tpu.memory_space<vmem>>, vector<2000x256xf32>
    tpu.vector_store %arg4[%swap3A, %swap3A_19], %dot_general3A_18 {strides = array<i32>} : memref<2000x256xf32, #tpu.memory_space<vmem>>, vector<2000x256xf32>,
    %reduce_sum3A = arith.constant dense<0.000000e+00> : vector<256xf32>
    %reduce_sum3A_21 = vector.multi_reduction <add>, %dot_general3A_18, %reduce_sum3A [0] : vector<2000x256xf32> to vector<256xf32>
    %mul3A_22 = arith.mulf %dot_general3A_18, %dot_general3A_18 : vector<2000x256xf32>
    %reduce_sum3A_23 = arith.constant dense<0.000000e+00> : vector<256xf32>
    %reduce_sum3A_24 = vector.multi_reduction <add>, %mul3A_22, %reduce_sum3A_23 [0] : vector<2000x256xf32> to vector<256xf32>
    %stack3A = vector.shape_cast %reduce_sum3A_21 : vector<256xf32> to vector<1x256xf32>
    %stack3A_25 = vector.shape_cast %reduce_sum3A_24 : vector<256xf32> to vector<1x256xf32>
    %stack3A_26 = tpu.concatenate %stack3A, %stack3A_25 in 0 : vector<1x256xf32>, vector<1x256xf32> -> vector<2x256xf32>
    %eq3A = arith.constant 0 : i32
    %eq3A_27 = arith.cmpi eq, %arg0, %eq3A : i32
    %convert_element_type3A = arith.extui %eq3A_27 : i1 to i32
    %cond3A = arith.constant 0 : i32
    %cond3A_28 = arith.cmpi ne, %convert_element_type3A, %cond3A : i32
    scf.if %cond3A_28 {
      %broadcast_in_dim3A_36 = arith.constant 0.000000e+00 : f32
      %broadcast_in_dim3A_37 = vector.broadcast %broadcast_in_dim3A_36 : f32 to vector<2x256xf32>
      %swap3A_38 = arith.constant 0 : index
      %swap3A_39 = arith.constant 0 : index
      %swap3A_40 = vector.load %arg5[%swap3A_38, %swap3A_39] : memref<2x256xf32, #tpu.memory_space<vmem>>, vector<2x256xf32>
      tpu.vector_store %arg5[%swap3A_38, %swap3A_39], %broadcast_in_dim3A_37 {strides = array<i32>} : memref<2x256xf32, #tpu.memory_space<vmem>>, vector<2x256xf32>,
    } else {
    }
    %get3A_29 = arith.constant 0 : index
    %get3A_30 = arith.constant 0 : index
    %get3A_31 = vector.load %arg5[%get3A_29, %get3A_30] : memref<2x256xf32, #tpu.memory_space<vmem>>, vector<2x256xf32>
    %add3A_32 = arith.addf %get3A_31, %stack3A_26 : vector<2x256xf32>
    %swap3A_33 = arith.constant 0 : index
    %swap3A_34 = arith.constant 0 : index
    %swap3A_35 = vector.load %arg5[%swap3A_33, %swap3A_34] : memref<2x256xf32, #tpu.memory_space<vmem>>, vector<2x256xf32>
    tpu.vector_store %arg5[%swap3A_33, %swap3A_34], %add3A_32 {strides = array<i32>} : memref<2x256xf32, #tpu.memory_space<vmem>>, vector<2x256xf32>,
    return
  }
  func.func @transform_0(%arg0: i32) -> (i32, i32) {
    %c0_i32 = arith.constant 0 : i32
    %c0_i32_0 = arith.constant 0 : i32
    return %arg0, %c0_i32 : i32, i32
  }
  func.func @transform_1(%arg0: i32) -> (i32, i32) {
    %c0_i32 = arith.constant 0 : i32
    %c0_i32_0 = arith.constant 0 : i32
    %c0_i32_1 = arith.constant 0 : i32
    return %c0_i32, %c0_i32_0 : i32, i32
  }
  func.func @transform_2(%arg0: i32) -> (i32, i32) {
    %c0_i32 = arith.constant 0 : i32
    %c0_i32_0 = arith.constant 0 : i32
    %c0_i32_1 = arith.constant 0 : i32
    return %c0_i32, %c0_i32_0 : i32, i32
  }
  func.func @transform_3(%arg0: i32) -> (i32, i32) {
    %c0_i32 = arith.constant 0 : i32
    %c0_i32_0 = arith.constant 0 : i32
    return %arg0, %c0_i32 : i32, i32
  }
  func.func @transform_4(%arg0: i32) -> (i32, i32) {
    %c0_i32 = arith.constant 0 : i32
    %c0_i32_0 = arith.constant 0 : i32
    %c0_i32_1 = arith.constant 0 : i32
    return %c0_i32, %c0_i32_0 : i32, i32
  }
}

module attributes {stable_mosaic.version = 14 : i64} {
  func.func @_mlp3_body(%arg0: i32, %arg1: memref<2000x256xf32, #tpu.memory_space<vmem>>, %arg2: memref<2x256xf32, #tpu.memory_space<vmem>>, %arg3: memref<256x128xf32, #tpu.memory_space<vmem>>, %arg4: memref<1x128xf32, #tpu.memory_space<vmem>>, %arg5: memref<2000x128xf32, #tpu.memory_space<vmem>>) attributes {dimension_semantics = [#tpu.dimension_semantics<arbitrary>], iteration_bounds = array<i64: 5>, scalar_prefetch = 0 : i64, scratch_operands = 0 : i64, tpu.core_type = #tpu.core_type<tc>, window_params = [{transform_indices = @transform_0, window_bounds = array<i64: 2000, 256>}, {pipeline_mode = #tpu.pipeline_mode<synchronous>, transform_indices = @transform_1, window_bounds = array<i64: 2, 256>}, {pipeline_mode = #tpu.pipeline_mode<synchronous>, transform_indices = @transform_2, window_bounds = array<i64: 256, 128>}, {pipeline_mode = #tpu.pipeline_mode<synchronous>, transform_indices = @transform_3, window_bounds = array<i64: 1, 128>}, {transform_indices = @transform_4, window_bounds = array<i64: 2000, 128>}]} {
    %get3A = arith.constant 0 : index
    %get3A_0 = arith.constant 0 : index
    %get3A_1 = vector.load %arg1[%get3A, %get3A_0] : memref<2000x256xf32, #tpu.memory_space<vmem>>, vector<2000x256xf32>
    %get3A_2 = arith.constant 0 : index
    %get3A_3 = arith.constant 0 : index
    %get3A_4 = vector.load %arg2[%get3A_2, %get3A_3] : memref<2x256xf32, #tpu.memory_space<vmem>>, vector<1x256xf32>
    %get3A_5 = vector.shape_cast %get3A_4 : vector<1x256xf32> to vector<256xf32>
    %broadcast_in_dim3A = vector.shape_cast %get3A_5 : vector<256xf32> to vector<1x256xf32>
    %mul3A = vector.broadcast %broadcast_in_dim3A : vector<1x256xf32> to vector<2000x256xf32>
    %mul3A_6 = arith.mulf %get3A_1, %mul3A : vector<2000x256xf32>
    %get3A_7 = arith.constant 1 : index
    %get3A_8 = arith.constant 0 : index
    %get3A_9 = vector.load %arg2[%get3A_7, %get3A_8] : memref<2x256xf32, #tpu.memory_space<vmem>>, vector<1x256xf32>
    %get3A_10 = vector.shape_cast %get3A_9 : vector<1x256xf32> to vector<256xf32>
    %broadcast_in_dim3A_11 = vector.shape_cast %get3A_10 : vector<256xf32> to vector<1x256xf32>
    %add3A = vector.broadcast %broadcast_in_dim3A_11 : vector<1x256xf32> to vector<2000x256xf32>
    %add3A_12 = arith.addf %mul3A_6, %add3A : vector<2000x256xf32>
    %max3A = arith.constant 0.000000e+00 : f32
    %max3A_13 = vector.broadcast %max3A : f32 to vector<2000x256xf32>
    %max3A_14 = arith.maximumf %add3A_12, %max3A_13 : vector<2000x256xf32>
    %get3A_15 = arith.constant 0 : index
    %get3A_16 = arith.constant 0 : index
    %get3A_17 = vector.load %arg3[%get3A_15, %get3A_16] : memref<256x128xf32, #tpu.memory_space<vmem>>, vector<256x128xf32>
    %dot_general3A = arith.constant dense<0.000000e+00> : vector<2000x128xf32>
    %dot_general3A_18 = tpu.matmul %max3A_14, %get3A_17, %dot_general3A {dimension_numbers = #tpu.dot_dimension_numbers<[1], [0], [0], [1], [0, 0, 1, 1], [], []>, transpose_lhs_hint = false} : vector<2000x256xf32>, vector<256x128xf32>, vector<2000x128xf32> -> vector<2000x128xf32>
    %get3A_19 = arith.constant 0 : index
    %get3A_20 = arith.constant 0 : index
    %get3A_21 = vector.load %arg4[%get3A_19, %get3A_20] : memref<1x128xf32, #tpu.memory_space<vmem>>, vector<1x128xf32>
    %add3A_22 = vector.broadcast %get3A_21 : vector<1x128xf32> to vector<2000x128xf32>
    %add3A_23 = arith.addf %dot_general3A_18, %add3A_22 : vector<2000x128xf32>
    %swap3A = arith.constant 0 : index
    %swap3A_24 = arith.constant 0 : index
    %swap3A_25 = vector.load %arg5[%swap3A, %swap3A_24] : memref<2000x128xf32, #tpu.memory_space<vmem>>, vector<2000x128xf32>
    tpu.vector_store %arg5[%swap3A, %swap3A_24], %add3A_23 {strides = array<i32>} : memref<2000x128xf32, #tpu.memory_space<vmem>>, vector<2000x128xf32>,
    return
  }
  func.func @transform_0(%arg0: i32) -> (i32, i32) {
    %c0_i32 = arith.constant 0 : i32
    %c0_i32_0 = arith.constant 0 : i32
    return %arg0, %c0_i32 : i32, i32
  }
  func.func @transform_1(%arg0: i32) -> (i32, i32) {
    %c0_i32 = arith.constant 0 : i32
    %c0_i32_0 = arith.constant 0 : i32
    %c0_i32_1 = arith.constant 0 : i32
    return %c0_i32, %c0_i32_0 : i32, i32
  }
  func.func @transform_2(%arg0: i32) -> (i32, i32) {
    %c0_i32 = arith.constant 0 : i32
    %c0_i32_0 = arith.constant 0 : i32
    %c0_i32_1 = arith.constant 0 : i32
    return %c0_i32, %c0_i32_0 : i32, i32
  }
  func.func @transform_3(%arg0: i32) -> (i32, i32) {
    %c0_i32 = arith.constant 0 : i32
    %c0_i32_0 = arith.constant 0 : i32
    %c0_i32_1 = arith.constant 0 : i32
    return %c0_i32, %c0_i32_0 : i32, i32
  }
  func.func @transform_4(%arg0: i32) -> (i32, i32) {
    %c0_i32 = arith.constant 0 : i32
    %c0_i32_0 = arith.constant 0 : i32
    return %arg0, %c0_i32 : i32, i32
  }
}

</mosaic_0001>

<sc_bundles>
// kernel: kernel.12.cloned.1.call-start
scs
__scs_entry_jumppad:
0x0: {  	(pc) =	sbr.rel $0x88, $3  }
0x1: {  	(tag) =	ssettag $0x0;
	lr =	simm.s32 $0x1  }
0x2: {  	[smem:$0x3F8F] =	sst lr;
	_ =	strace $0xD0000000  }
0x3: {  	_ = 	snop  }
0x4: {  	_ = 	snop  }
0x5: {  	_ = 	snop  }
0x6: {  	_ = 	snop  }
0x7: {  	_ = 	snop  }
__scs_overlays_trampoline_lowered:
0x8: {  	[smem:$0x3F9E] =	sst s0  }
0x9: {  	[smem:$0x3F9F] =	sst s1  }
0xa: {  	[smem:$0x3FA0] =	sst s2  }
0xb: {  	[smem:$0x3FA1] =	sst s3  }
0xc: {  	[smem:$0x3FA2] =	sst s4  }
0xd: {  	[smem:$0x3FA3] =	sst s5  }
0xe: {  	[smem:$0x3FA4] =	sst s6  }
0xf: {  	[smem:$0x3FA5] =	sst s7  }
0x10: {  	[smem:$0x3FA6] =	sst s8  }
0x11: {  	[smem:$0x3FA7] =	sst s9;
	s0 =	simm.s32 @!p0 $0x0  }
0x12: {  	s1 =	sld [smem:$0x3F8D];
	s0 =	simm.s32 @p0 $0x1  }
0x13: {  	[smem:$0x3FA8] =	sst s0;
	s0 =	simm.s32 @!p1 $0x0  }
0x14: {  	s2 =	sld [smem:$0x3F8C];
	s0 =	simm.s32 @p1 $0x1  }
0x15: {  	[smem:$0x3FA9] =	sst s0;
	s0 =	simm.s32 @!p2 $0x0  }
0x16: {  	s3 =	sld [smem:$0x3FDB];
	s0 =	simm.s32 @p2 $0x1  }
0x17: {  	s4 =	simm.s32 $0x1BF5;
	[smem:$0x3FAB] =	sst s0  }
0x18: {  	s0 =	sld [smem:$0x3F8E];
	_ =	swait.ge [sflag:s4], $0x0  }
0x19: {  	s7 =	sld [smem:$0x3F8F]  }
0x1a: {  	s8 =	sadd.s32 $0xFFFFE003, lr  }
0x1b: {  	s9 =	sadd.s32 $0xFFFFFEF7, lr;
	s5 =	simm.s32 $0xFFFFFFFF;
	p2 =	slt.u32 s8, $0xFFFFF086  }
0x1c: {  	p1 =	slt.u32 s9, $0xF7A;
	s5 =	simm.s32 @!p2 $0x0  }
0x1d: {  	s5 =	simm.s32 @p1 $0x1;
	p0 =	seq.s32 s7, s2  }
0x1e: {  	s7 =	smul.u32 @!p0 $0xF7A, s2;
	p2 =	seq.s32 @!p0 s5, $0x0  }
0x1f: {  	s9 =	smul.u32 $0xF7A, s1;
	s8 =	simm.s32 @!p0 $0x1BF5;
	p2 =	por !p2, p0  }
0x20: {  	[sflag:s8] =	ssyncset.s32 @!p0 $0xFFFFF086;
	s6 =	sadd.s32 @!p0 s3, s7;
	s7 =	simm.s32 @!p0 $0x108  }
0x21: {  	s3 =	sadd.s32 s3, s9;
	s6 =	sadd.s32 @!p0 $0x88, s6;
	s7 =	simm.s32 @p2 $0x1082  }
0x22: {  	[simem:s7], [sflag:s8] =	dma.local @!p0 [hbm:s6], $0xF7A  }
0x23: {  	s9 =	sor.u32 $0xD0000000, s2;
	s6 =	simm.s32 $0x108;
	_ =	swait.ge @!p0 [sflag:s8], $0x0  }
0x24: {  	s3 =	sadd.s32 $0x88, s3;
	s6 =	simm.s32 @!p1 $0x1082;
	[sflag:s4] =	ssyncset.s32 $0xFFFFF086  }
0x25: {  	[simem:s6], [sflag:s4] =	dma.local [hbm:s3], $0xF7A  }
0x26: {  	[smem:$0x3F8F] =	sst s1;
	(tag) =	ssettag s2;
	_ =	strace s9  }
0x27: {  	s1 =	sld [smem:$0x3F9F]  }
0x28: {  	s2 =	sld [smem:$0x3FA0]  }
0x29: {  	s4 =	sld [smem:$0x3FA2]  }
0x2a: {  	p0 =	seq.s32 s5, $0x0;
	s5 =	sld [smem:$0x3FA3]  }
0x2b: {  	s6 =	sld [smem:$0x3FA4]  }
0x2c: {  	s7 =	sld [smem:$0x3FA5]  }
0x2d: {  	s3 =	simm.s32 $0x108;
	s8 =	sld [smem:$0x3FA6]  }
0x2e: {  	s3 =	simm.s32 @!p0 $0x1082;
	s9 =	sld [smem:$0x3FA7]  }
0x2f: {  	lr =	sadd.s32 s0, s3;
	s0 =	sld [smem:$0x3F9E]  }
0x30: {  	s3 =	sld [smem:$0x3FA1]  }
0x31: {  	[smem:$0x3FAA] =	sst s10  }
0x32: {  	s10 =	sld [smem:$0x3FA8];
	_ =	sdelay $0x3  }
0x33: {  	p0 =	seq.s32 s10, $0x1;
	s10 =	sld [smem:$0x3FAA];
	_ =	sdelay $0x3  }
0x34: {  	[smem:$0x3FAA] =	sst s10  }
0x35: {  	s10 =	sld [smem:$0x3FA9];
	_ =	sdelay $0x3  }
0x36: {  	p1 =	seq.s32 s10, $0x1;
	s10 =	sld [smem:$0x3FAA];
	_ =	sdelay $0x3  }
0x37: {  	[smem:$0x3FAA] =	sst s10  }
0x38: {  	s10 =	sld [smem:$0x3FAB]  }
0x39: {  	_ = 	snop;
	(pc) =	sbr.ind lr, $3  }
0x3a: {  	_ = 	snop  }
0x3b: {  	_ = 	snop  }
0x3c: {  	p2 =	seq.s32 s10, $0x1;
	s10 =	sld [smem:$0x3FAA]  }
0x3d: {  	_ =	shalt  }
0x3e: {  	_ =	shalt  }
0x3f: {  	_ =	shalt  }
0x40: {  	_ =	shalt  }
0x41: {  	_ =	shalt  }
0x42: {  	_ =	shalt  }
0x43: {  	_ =	shalt  }
0x44: {  	_ =	shalt  }
0x45: {  	_ =	shalt  }
0x46: {  	_ =	shalt  }
0x47: {  	_ =	shalt  }
0x48: {  	_ =	shalt  }
0x49: {  	_ =	shalt  }
0x4a: {  	_ =	shalt  }
0x4b: {  	_ =	shalt  }
0x4c: {  	_ =	shalt  }
0x4d: {  	_ =	shalt  }
0x4e: {  	_ =	shalt  }
0x4f: {  	_ =	shalt  }
0x50: {  	_ =	shalt  }
0x51: {  	_ =	shalt  }
0x52: {  	_ =	shalt  }
0x53: {  	_ =	shalt  }
0x54: {  	_ =	shalt  }
0x55: {  	_ =	shalt  }
0x56: {  	_ =	shalt  }
0x57: {  	_ =	shalt  }
0x58: {  	_ =	shalt  }
0x59: {  	_ =	shalt  }
0x5a: {  	_ =	shalt  }
0x5b: {  	_ =	shalt  }
0x5c: {  	_ =	shalt  }
0x5d: {  	_ =	shalt  }
0x5e: {  	_ =	shalt  }
0x5f: {  	_ =	shalt  }
0x60: {  	_ =	shalt  }
0x61: {  	_ =	shalt  }
0x62: {  	_ =	shalt  }
0x63: {  	_ =	shalt  }
0x64: {  	_ =	shalt  }
0x65: {  	_ =	shalt  }
0x66: {  	_ =	shalt  }
0x67: {  	_ =	shalt  }
0x68: {  	_ =	shalt  }
0x69: {  	_ =	shalt  }
0x6a: {  	_ =	shalt  }
0x6b: {  	_ =	shalt  }
0x6c: {  	_ =	shalt  }
0x6d: {  	_ =	shalt  }
0x6e: {  	_ =	shalt  }
0x6f: {  	_ =	shalt  }
0x70: {  	_ =	shalt  }
0x71: {  	_ =	shalt  }
0x72: {  	_ =	shalt  }
0x73: {  	_ =	shalt  }
0x74: {  	_ =	shalt  }
0x75: {  	_ =	shalt  }
0x76: {  	_ =	shalt  }
0x77: {  	_ =	shalt  }
0x78: {  	_ =	shalt  }
0x79: {  	_ =	shalt  }
0x7a: {  	_ =	shalt  }
0x7b: {  	_ =	shalt  }
0x7c: {  	_ =	shalt  }
0x7d: {  	_ =	shalt  }
0x7e: {  	_ =	shalt  }
0x7f: {  	_ =	shalt  }
0x80: {  	_ =	shalt  }
0x81: {  	_ =	shalt  }
0x82: {  	_ =	shalt  }
0x83: {  	_ =	shalt  }
0x84: {  	_ =	shalt  }
0x85: {  	_ =	shalt  }
0x86: {  	_ =	shalt  }
0x87: {  	_ =	shalt  }
.Lfunc_end0:
.L_simem_size_0:
called_computation.1_lowered:
.L_overlay_start_0:
0x88: {  	s2 =	sld [smem:$0x3FD9]  }
0x89: {  	s3 =	sld [smem:$0x3FFE];
	_ =	sdelay $0x1  }
0x8a: {  	s1 =	srdreg.scid  }
0x8b: {  	s0 =	sand.u32 $0x1, s1  }
0x8c: {  	s17 =	sshll.u32 s0, $0xA;
	s2 =	sadd.s32 s3, s2  }
0x8d: {  	s2 =	sadd.s32 s2, s17  }
0x8e: {  	[smem:$0x3FB6] =	sst s2  }
0x8f: {  	_ = 	snop  }
0x90: {  	s2 =	sld [smem:$0x3FD0];
	(tm) =	ssettm $0x1  }
0x91: {  	s18 =	sld [smem:$0x3FFB];
	_ =	sdelay $0x3  }
0x92: {  	_ =	strace s18  }
0x93: {  	s3 =	sld [smem:$0x3FFC];
	_ =	sdelay $0x3  }
0x94: {  	_ =	strace s3  }
0x95: {  	s3 =	sld [smem:$0x3FFD];
	_ =	sdelay $0x3  }
0x96: {  	_ =	strace s3  }
0x97: {  	_ =	strace $0x8FFFFFFF  }
0x98: {  	s19 =	sld [smem:$0x3FDB];
	_ =	sdelay $0x1  }
0x99: {  	s4 =	simm.s32 $_scs_section_size  }
0x9a: {  	s5 =	simm.s32 $_size__tile_overlayer_lowered;
	s6 =	simm.s32 $_tile_overlayer_lowered  }
0x9b: {  	s22 =	simm.s32 $0x1BFF;
	s21 =	sshll.u32 s6, $0x1;
	s3 =	sadd.s32 s4, s19  }
0x9c: {  	s7 =	simm.s32 $0x0;
	s20 =	sshll.u32 s5, $0x1;
	s5 =	sadd.s32 s21, s3  }
0x9d: {  	[timem:s7], [sflag:s22] =	dma.local [hbm:s5], s20  }
0x9e: {  	_ =	swait.ge [sflag:s22], s20  }
0x9f: {  	s4 =	ssub.s32 $0x0, s20;
	[sflag:s22] =	ssyncset.done $0x0  }
0xa0: {  	[sflag:s22] =	ssyncadd.s32 s4;
	_ =	sdelay $0x1  }
0xa1: {  	s23 =	simm.s32 $0x1B8B  }
0xa2: {  	_ =	swait.ge [sflag:s23], $0x1  }
0xa3: {  	[sflag:s23] =	ssyncset.done $0x0  }
0xa4: {  	s25 =	simm.s32 $0x1B8E;
	s24 =	sld [smem:$0x3FFE];
	[sflag:s23] =	ssyncadd.s32 $0xFFFFFFFF  }
0xa5: {  	s26 =	simm.s32 $execute0_lowered;
	[smem:$0x3FD2] =	sst s25  }
0xa6: {  	s5 =	sshll.u32 s26, $0x1;
	_ =	strace $0x80000049;
	[dreg:$0x1] =	wrdreg $0xFFFFFFFF  }
0xa7: {  	s28 =	simm.s32 $_size_execute0_lowered;
	s3 =	sadd.s32 s3, s5;
	[dreg:$0x0] =	wrdreg $0x0  }
0xa8: {  	s5 =	sshll.u32 s28, $0x1;
	[dreg:$0x2] =	wrdreg s3  }
0xa9: {  	[dreg:$0x3] =	wrdreg s5  }
0xaa: {  	[dreg:$0x4] =	wrdreg $0xC0  }
0xab: {  	_ =	task [dreg:s7], $0x5FFFF  }
0xac: {  	[dreg:$0x1] =	wrdreg $0xFFFFFFFF  }
0xad: {  	[dreg:$0x0] =	wrdreg $0x60  }
0xae: {  	[dreg:$0x2] =	wrdreg s24  }
0xaf: {  	[dreg:$0x3] =	wrdreg s2  }
0xb0: {  	[dreg:$0x4] =	wrdreg $0x29800  }
0xb1: {  	[dreg:$0x5] =	wrdreg $0x9  }
0xb2: {  	_ =	task.clear_ibuf [dreg:s7], $0x6FFFF;
	_ =	strace $0x90000049  }
0xb3: {  	s29 =	simm.s32 $0x9;
	_ =	strace $0x8000004B  }
0xb4: {  	_ =	swait.ge [sflag:s29], $0x1  }
0xb5: {  	[sflag:s29] =	ssyncadd.s32 $0xFFFFFFFF  }
0xb6: {  	_ =	strace $0x9000004B  }
0xb7: {  	_ =	sfence  }
0xb8: {  	s30 =	sld [smem:$0x0];
	_ =	sdelay $0x2  }
0xb9: {  	s31 =	sshll.u32 s1, $0xD;
	s1 =	sshrl.u32 s1, $0x2  }
0xba: {  	s3 =	sand.u32 $0x4000, s31;
	s1 =	sadd.s32 s1, s30  }
0xbb: {  	s0 =	sor.u32 s3, s0;
	s1 =	sshll.u32 s1, $0x11  }
0xbc: {  	s0 =	sor.u32 s1, s0  }
0xbd: {  	s0 =	sadd.s32 $0x8F2B, s0  }
0xbe: {  	[sflag:s0] =	ssyncadd.remote.s32 $0x1  }
0xbf: {  	_ =	sfence.sel $0xFFFF  }
0xc0: {  	[dreg:$0x0] =	wrdreg $0xFFFFFFFF;
	(pc) =	sbr.abs _section_cstart, $3  }
0xc1: {  	[dreg:$0x1] =	wrdreg $0xFFFFFFFF  }
0xc2: {  	_ =	task.clear_ibuf [dreg:s7], $0x2FFFF;
	_ =	strace $0x9FFFFFFF  }
0xc3: {  	(tm) =	ssettm $0x7FFFFFFF  }
tec
execute0_lowered:
.L_overlay_start_1:
0x0: {  	(tag) =	ssettag $0x1  }
0x1: {  	s7 =	rddreg [dreg:$0x0]  }
0x2: {  	s8 =	rddreg [dreg:$0x1]  }
0x3: {  	s1 =	rddreg [dreg:$0x2];
	s2 =	srdreg.scid  }
0x4: {  	s0 =	rddreg [dreg:$0x3];
	s3 =	simm.s32 $0x0;
	s14 =	simm.s32 $0x100  }
0x5: {  	s15 =	simm.s32 $0x180;
	s16 =	simm.s32 $0x50;
	s9 =	sand.u32 $0x1, s2  }
0x6: {  	s17 =	simm.s32 $0x0;
	s2 =	stileid.u32;
	s6 =	smul.u32 $0x138800, s9  }
0x7: {  	[smem:$0x7FF] =	sst s3;
	s4 =	sadd.s32 $0xA02400, s7;
	s10 =	smul.u32 $0x1F400, s2  }
0x8: {  	s5 =	sadd.s32 $0xD400, s7;
	_ =	strace $0x8000004A;
	s13 =	smul.u32 $0x7D000, s2  }
0x9: {  	s28 =	ssub.s32 $0x2, s9;
	s29 =	sshll.u32 s2, $0x1;
	s31 =	smul.u32 $0x3E80, s2  }
0xa: {  	p0 =	sgt.u32 s2, $0x9;
	s12 =	sshrl.u32 s28, $0x1;
	s9 =	sor.u32 s9, s29  }
0xb: {  	s6 =	sadd.s32 s10, s6;
	s10 =	ssub.s32 s28, s12;
	s30 =	sshrl.u32 s13, $0x2  }
0xc: {  	s13 =	sshll.u32 @!p0 s2, $0x6;
	s11 =	sshrl.u32 s6, $0x3;
	s6 =	sadd.s32 $0x3600, s7  }
0xd: {  	s12 =	sadd.s32 s30, s1;
	s10 =	smax.u32 s10, $0x1;
	s11 =	sadd.s32 s11, s7  }
0xe: {  	s7 =	sadd.s32 s8, s31;
	s8 =	smul.u32 $0x2710, s9;
	s12 =	sshrl.u32 @!p0 s12, $0x3  }
0xf: {  	s9 =	sadd.s32 $0x17200, s11;
	s11 =	sor.u32 @!p0 $0x1C01, s13;
	s13 =	simm.s32 $0x1  }
.LBB2_1:
0x10: {  	[spmem:s12], [sflag:s11] =	dma.local @!p0 [hbm:s7], $0x3E80  }
0x11: {  	s18 =	simm.s32 @!p0 $0x1  }
0x12: {  	_ =	swait.ge @!p0 [sflag:s18], $0x3E80  }
0x13: {  	[sflag:s18] =	ssyncset.done @!p0 $0x0  }
0x14: {  	[sflag:s18] =	ssyncadd.s32 @!p0 $0xFFFFC180  }
0x15: {  	[tilespmem:s3], [sflag:$0x1] =	stream.linear.gather [hbm4b:s6+s3], $0x100, $0x38;
	[tilespmem:$0x16200] =	vst v63  }
0x16: {  	_ =	swait.ge [sflag:s13], $0x100  }
0x17: {  	[sflag:s13] =	ssyncset.done $0x0  }
0x18: {  	[sflag:s13] =	ssyncadd.s32 $0xFFFFFF00  }
0x19: {  	s18 =	simm.s32 $0x0;
	[bflag:$0x0] =	sbarrier.arrive $0xFFFF  }
.LBB2_2:
0x1a: {  	s19 =	smul.u32 $0x50, s18;
	_ =	sdelay $0x1  }
0x1b: {  	s19 =	sadd.s32 s8, s19  }
0x1c: {  	s20 =	sshrl.u32 s19, $0x3  }
0x1d: {  	s21 =	simm.s32 $0x0;
	s20 =	sadd.s32 s5, s20  }
0x1e: {  	[tilespmem:s14], [sflag:$0x1] =	stream.linear.gather [hbm4b:s20+s21], $0x50, $0x38;
	[tilespmem:$0x16200] =	vst v63  }
0x1f: {  	_ =	swait.ge [sflag:s13], $0x50  }
0x20: {  	s19 =	sshll.u32 s19, $0x4;
	[sflag:s13] =	ssyncset.done $0x0  }
0x21: {  	s19 =	sadd.s32 s4, s19;
	[sflag:s13] =	ssyncadd.s32 $0xFFFFFFB0  }
0x22: {  	[tilespmem:s15], [sflag:$0x1] =	stream.linear.gather [hbm4b:s19+s21], $0x2800, $0x38;
	[tilespmem:$0x16200] =	vst v63  }
0x23: {  	_ =	swait.ge [sflag:s13], $0x2800  }
0x24: {  	[sflag:s13] =	ssyncset.done $0x0  }
0x25: {  	s19 =	simm.s32 $0x0;
	[sflag:s13] =	ssyncadd.s32 $0xFFFFD800  }
0x26: {  	v0 =	vld [tilespmem:s19+$0x180]  }
0x27: {  	v1 =	vld [tilespmem:$0x0];
	_ =	sdelay $0x1  }
0x28: {  	v2 =	vld [tilespmem:$0x80];
	_ =	sdelay $0x2  }
0x29: {  	v0 =	vmul.f32 v1, v0;
	_ =	sdelay $0x1  }
0x2a: {  	v0 =	vadd.f32 v2, v0;
	_ =	sdelay $0x1  }
0x2b: {  	v0 =	vmax.f32 v0, $0.0e+00  }
0x2c: {  	[tilespmem:s19+$0x180] =	vst v0;
	v0 =	vld [tilespmem:s19+$0x190]  }
0x2d: {  	v1 =	vld [tilespmem:$0x10];
	_ =	sdelay $0x1  }
0x2e: {  	v2 =	vld [tilespmem:$0x90];
	_ =	sdelay $0x2  }
0x2f: {  	v0 =	vmul.f32 v1, v0;
	_ =	sdelay $0x1  }
0x30: {  	v0 =	vadd.f32 v2, v0;
	_ =	sdelay $0x1  }
0x31: {  	v0 =	vmax.f32 v0, $0.0e+00  }
0x32: {  	[tilespmem:s19+$0x190] =	vst v0;
	v0 =	vld [tilespmem:s19+$0x1A0]  }
0x33: {  	v1 =	vld [tilespmem:$0x20];
	_ =	sdelay $0x1  }
0x34: {  	v2 =	vld [tilespmem:$0xA0];
	_ =	sdelay $0x2  }
0x35: {  	v0 =	vmul.f32 v1, v0;
	_ =	sdelay $0x1  }
0x36: {  	v0 =	vadd.f32 v2, v0;
	_ =	sdelay $0x1  }
0x37: {  	v0 =	vmax.f32 v0, $0.0e+00  }
0x38: {  	[tilespmem:s19+$0x1A0] =	vst v0;
	v0 =	vld [tilespmem:s19+$0x1B0]  }
0x39: {  	v1 =	vld [tilespmem:$0x30];
	_ =	sdelay $0x1  }
0x3a: {  	v2 =	vld [tilespmem:$0xB0];
	_ =	sdelay $0x2  }
0x3b: {  	v0 =	vmul.f32 v1, v0;
	_ =	sdelay $0x1  }
0x3c: {  	v0 =	vadd.f32 v2, v0;
	_ =	sdelay $0x1  }
0x3d: {  	v0 =	vmax.f32 v0, $0.0e+00  }
0x3e: {  	[tilespmem:s19+$0x1B0] =	vst v0;
	v0 =	vld [tilespmem:s19+$0x1C0]  }
0x3f: {  	v1 =	vld [tilespmem:$0x40];
	_ =	sdelay $0x1  }
0x40: {  	v2 =	vld [tilespmem:$0xC0];
	_ =	sdelay $0x2  }
0x41: {  	v0 =	vmul.f32 v1, v0;
	_ =	sdelay $0x1  }
0x42: {  	v0 =	vadd.f32 v2, v0;
	_ =	sdelay $0x1  }
0x43: {  	v0 =	vmax.f32 v0, $0.0e+00  }
0x44: {  	[tilespmem:s19+$0x1C0] =	vst v0;
	v0 =	vld [tilespmem:s19+$0x1D0]  }
0x45: {  	v1 =	vld [tilespmem:$0x50];
	_ =	sdelay $0x1  }
0x46: {  	v2 =	vld [tilespmem:$0xD0];
	_ =	sdelay $0x2  }
0x47: {  	v0 =	vmul.f32 v1, v0;
	_ =	sdelay $0x1  }
0x48: {  	v0 =	vadd.f32 v2, v0;
	_ =	sdelay $0x1  }
0x49: {  	v0 =	vmax.f32 v0, $0.0e+00  }
0x4a: {  	[tilespmem:s19+$0x1D0] =	vst v0;
	v0 =	vld [tilespmem:s19+$0x1E0]  }
0x4b: {  	v1 =	vld [tilespmem:$0x60];
	_ =	sdelay $0x1  }
0x4c: {  	v2 =	vld [tilespmem:$0xE0];
	_ =	sdelay $0x2  }
0x4d: {  	v0 =	vmul.f32 v1, v0;
	_ =	sdelay $0x1  }
0x4e: {  	v0 =	vadd.f32 v2, v0;
	_ =	sdelay $0x1  }
0x4f: {  	v0 =	vmax.f32 v0, $0.0e+00  }
0x50: {  	[tilespmem:s19+$0x1E0] =	vst v0;
	v0 =	vld [tilespmem:s19+$0x1F0]  }
0x51: {  	v1 =	vld [tilespmem:$0x70];
	_ =	sdelay $0x1  }
0x52: {  	v2 =	vld [tilespmem:$0xF0];
	_ =	sdelay $0x2  }
0x53: {  	v0 =	vmul.f32 v1, v0;
	_ =	sdelay $0x1  }
0x54: {  	s20 =	simm.s32 $0x200;
	s21 =	simm.s32 $0x400;
	v0 =	vadd.f32 v2, v0  }
.LBB2_3:
0x55: {  	p1 =	sne.s32 s21, $0x9E00  }
0x56: {  	s22 =	sshra.s32 s20, $0x2;
	s20 =	smov.u32 s21;
	s21 =	sadd.s32 $0x200, s21;
	v0 =	vmax.f32 v0, $0.0e+00  }
0x57: {  	v1 =	vld [tilespmem:s22+$0x180];
	[tilespmem:s19+$0x1F0] =	vst v0;
	s19 =	smov.u32 s22  }
0x58: {  	v0 =	vld [tilespmem:$0x0]  }
0x59: {  	v2 =	vld [tilespmem:$0x80];
	_ =	sdelay $0x3  }
0x5a: {  	v0 =	vmul.f32 v0, v1;
	_ =	sdelay $0x1  }
0x5b: {  	v0 =	vadd.f32 v2, v0;
	_ =	sdelay $0x1  }
0x5c: {  	v0 =	vmax.f32 v0, $0.0e+00  }
0x5d: {  	[tilespmem:s19+$0x180] =	vst v0;
	v0 =	vld [tilespmem:s19+$0x190]  }
0x5e: {  	v1 =	vld [tilespmem:$0x10]  }
0x5f: {  	v2 =	vld [tilespmem:$0x90];
	_ =	sdelay $0x3  }
0x60: {  	v0 =	vmul.f32 v1, v0;
	_ =	sdelay $0x1  }
0x61: {  	v0 =	vadd.f32 v2, v0;
	_ =	sdelay $0x1  }
0x62: {  	v0 =	vmax.f32 v0, $0.0e+00  }
0x63: {  	[tilespmem:s19+$0x190] =	vst v0;
	v0 =	vld [tilespmem:s19+$0x1A0]  }
0x64: {  	v1 =	vld [tilespmem:$0x20]  }
0x65: {  	v2 =	vld [tilespmem:$0xA0];
	_ =	sdelay $0x3  }
0x66: {  	v0 =	vmul.f32 v1, v0;
	_ =	sdelay $0x1  }
0x67: {  	v0 =	vadd.f32 v2, v0;
	_ =	sdelay $0x1  }
0x68: {  	v0 =	vmax.f32 v0, $0.0e+00  }
0x69: {  	[tilespmem:s19+$0x1A0] =	vst v0;
	v0 =	vld [tilespmem:s19+$0x1B0]  }
0x6a: {  	v1 =	vld [tilespmem:$0x30]  }
0x6b: {  	v2 =	vld [tilespmem:$0xB0];
	_ =	sdelay $0x3  }
0x6c: {  	v0 =	vmul.f32 v1, v0;
	_ =	sdelay $0x1  }
0x6d: {  	v0 =	vadd.f32 v2, v0;
	_ =	sdelay $0x1  }
0x6e: {  	v0 =	vmax.f32 v0, $0.0e+00  }
0x6f: {  	[tilespmem:s19+$0x1B0] =	vst v0;
	v0 =	vld [tilespmem:s19+$0x1C0]  }
0x70: {  	v1 =	vld [tilespmem:$0x40]  }
0x71: {  	v2 =	vld [tilespmem:$0xC0];
	_ =	sdelay $0x3  }
0x72: {  	v0 =	vmul.f32 v1, v0;
	_ =	sdelay $0x1  }
0x73: {  	v0 =	vadd.f32 v2, v0;
	_ =	sdelay $0x1  }
0x74: {  	v0 =	vmax.f32 v0, $0.0e+00  }
0x75: {  	[tilespmem:s19+$0x1C0] =	vst v0;
	v0 =	vld [tilespmem:s19+$0x1D0]  }
0x76: {  	v1 =	vld [tilespmem:$0x50]  }
0x77: {  	v2 =	vld [tilespmem:$0xD0];
	_ =	sdelay $0x3  }
0x78: {  	v0 =	vmul.f32 v1, v0;
	_ =	sdelay $0x1  }
0x79: {  	v0 =	vadd.f32 v2, v0;
	_ =	sdelay $0x1  }
0x7a: {  	v0 =	vmax.f32 v0, $0.0e+00  }
0x7b: {  	[tilespmem:s19+$0x1D0] =	vst v0;
	v0 =	vld [tilespmem:s19+$0x1E0]  }
0x7c: {  	v1 =	vld [tilespmem:$0x60]  }
0x7d: {  	v2 =	vld [tilespmem:$0xE0];
	_ =	sdelay $0x3  }
0x7e: {  	v0 =	vmul.f32 v1, v0;
	_ =	sdelay $0x1  }
0x7f: {  	v0 =	vadd.f32 v2, v0;
	_ =	sdelay $0x1  }
0x80: {  	v0 =	vmax.f32 v0, $0.0e+00  }
0x81: {  	[tilespmem:s19+$0x1E0] =	vst v0;
	v0 =	vld [tilespmem:s19+$0x1F0]  }
0x82: {  	v1 =	vld [tilespmem:$0x70]  }
0x83: {  	v2 =	vld [tilespmem:$0xF0];
	_ =	sdelay $0x1  }
.Ltmp0:
0x84: {  	(pc) =	sbr.rel @p1 .LBB2_3-.Ltmp0, $3  }
0x85: {  	_ = 	snop  }
0x86: {  	v0 =	vmul.f32 v1, v0;
	_ =	sdelay $0x1  }
0x87: {  	v0 =	vadd.f32 v2, v0  }
0x88: {  	_ = 	snop  }
0x89: {  	s20 =	sshra.s32 s20, $0x2;
	v0 =	vmax.f32 v0, $0.0e+00  }
0x8a: {  	v1 =	vld [tilespmem:s20+$0x180];
	[tilespmem:s19+$0x1F0] =	vst v0  }
0x8b: {  	v0 =	vld [tilespmem:$0x0];
	_ =	sdelay $0x1  }
0x8c: {  	v2 =	vld [tilespmem:$0x80];
	_ =	sdelay $0x2  }
0x8d: {  	v0 =	vmul.f32 v0, v1;
	_ =	sdelay $0x1  }
0x8e: {  	v0 =	vadd.f32 v2, v0;
	_ =	sdelay $0x1  }
0x8f: {  	v0 =	vmax.f32 v0, $0.0e+00  }
0x90: {  	v43 =	vld [tilespmem:s20+$0x190];
	[tilespmem:s20+$0x180] =	vst v0  }
0x91: {  	v44 =	vld [tilespmem:$0x10];
	_ =	sdelay $0x1  }
0x92: {  	v45 =	vld [tilespmem:$0x90];
	_ =	sdelay $0x2  }
0x93: {  	v0 =	vmul.f32 v44, v43;
	_ =	sdelay $0x1  }
0x94: {  	v0 =	vadd.f32 v45, v0;
	_ =	sdelay $0x1  }
0x95: {  	v0 =	vmax.f32 v0, $0.0e+00  }
0x96: {  	v46 =	vld [tilespmem:s20+$0x1A0];
	[tilespmem:s20+$0x190] =	vst v0  }
0x97: {  	v47 =	vld [tilespmem:$0x20];
	_ =	sdelay $0x1  }
0x98: {  	v48 =	vld [tilespmem:$0xA0];
	_ =	sdelay $0x2  }
0x99: {  	v0 =	vmul.f32 v47, v46;
	_ =	sdelay $0x1  }
0x9a: {  	v0 =	vadd.f32 v48, v0;
	_ =	sdelay $0x1  }
0x9b: {  	v0 =	vmax.f32 v0, $0.0e+00  }
0x9c: {  	v49 =	vld [tilespmem:s20+$0x1B0];
	[tilespmem:s20+$0x1A0] =	vst v0  }
0x9d: {  	v50 =	vld [tilespmem:$0x30];
	_ =	sdelay $0x1  }
0x9e: {  	v51 =	vld [tilespmem:$0xB0];
	_ =	sdelay $0x2  }
0x9f: {  	v0 =	vmul.f32 v50, v49;
	_ =	sdelay $0x1  }
0xa0: {  	v0 =	vadd.f32 v51, v0;
	_ =	sdelay $0x1  }
0xa1: {  	v0 =	vmax.f32 v0, $0.0e+00  }
0xa2: {  	v52 =	vld [tilespmem:s20+$0x1C0];
	[tilespmem:s20+$0x1B0] =	vst v0  }
0xa3: {  	v53 =	vld [tilespmem:$0x40];
	_ =	sdelay $0x1  }
0xa4: {  	v54 =	vld [tilespmem:$0xC0];
	_ =	sdelay $0x2  }
0xa5: {  	v0 =	vmul.f32 v53, v52;
	_ =	sdelay $0x1  }
0xa6: {  	v0 =	vadd.f32 v54, v0;
	_ =	sdelay $0x1  }
0xa7: {  	v0 =	vmax.f32 v0, $0.0e+00  }
0xa8: {  	v55 =	vld [tilespmem:s20+$0x1D0];
	[tilespmem:s20+$0x1C0] =	vst v0  }
0xa9: {  	v56 =	vld [tilespmem:$0x50];
	_ =	sdelay $0x1  }
0xaa: {  	v57 =	vld [tilespmem:$0xD0];
	_ =	sdelay $0x2  }
0xab: {  	v0 =	vmul.f32 v56, v55;
	_ =	sdelay $0x1  }
0xac: {  	v0 =	vadd.f32 v57, v0;
	_ =	sdelay $0x1  }
0xad: {  	v0 =	vmax.f32 v0, $0.0e+00  }
0xae: {  	v58 =	vld [tilespmem:s20+$0x1E0];
	[tilespmem:s20+$0x1D0] =	vst v0  }
0xaf: {  	v59 =	vld [tilespmem:$0x60];
	_ =	sdelay $0x1  }
0xb0: {  	v60 =	vld [tilespmem:$0xE0];
	_ =	sdelay $0x2  }
0xb1: {  	v0 =	vmul.f32 v59, v58;
	_ =	sdelay $0x1  }
0xb2: {  	v0 =	vadd.f32 v60, v0;
	_ =	sdelay $0x1  }
0xb3: {  	v0 =	vmax.f32 v0, $0.0e+00  }
0xb4: {  	v61 =	vld [tilespmem:s20+$0x1F0];
	[tilespmem:s20+$0x1E0] =	vst v0  }
0xb5: {  	v62 =	vld [tilespmem:$0x70];
	_ =	sdelay $0x1  }
0xb6: {  	v63 =	vld [tilespmem:$0xF0];
	_ =	sdelay $0x2  }
0xb7: {  	v0 =	vmul.f32 v62, v61;
	_ =	sdelay $0x1  }
0xb8: {  	v0 =	vadd.f32 v63, v0  }
0xb9: {  	s18 =	sadd.s32 $0x1, s18  }
0xba: {  	p1 =	sne.s32 s18, $0x7D;
	v0 =	vmax.f32 v0, $0.0e+00  }
.Ltmp1:
0xbb: {  	[tilespmem:s20+$0x1F0] =	vst v0;
	(pc) =	sbr.rel @p1 .LBB2_2-.Ltmp1, $4  }
0xbc: {  	[spmem:s1] =	stream.indirect.scatter.add.f32 [tilespmem:s15], [sflag:$0x1], $0x80, s14, s16, $0xb8;
	[tilespmem:$0x16200] =	vst v63  }
0xbd: {  	_ =	swait.ge [sflag:s13], $0x2800  }
0xbe: {  	[sflag:s13] =	ssyncset.done $0x0  }
0xbf: {  	[sflag:s13] =	ssyncadd.s32 $0xFFFFD800  }
0xc0: {  	s17 =	sadd.s32 $0x1, s17  }
0xc1: {  	p1 =	sne.s32 s17, s10  }
.Ltmp2:
0xc2: {  	[bflag:$0x0] =	sbarrier.arrive $0xFFFF;
	s18 =	simm.s32 @!p0 $0x1;
	(pc) =	sbr.rel @p1 .LBB2_1-.Ltmp2, $4  }
0xc3: {  	[hbm:s9], [sflag:s11] =	dma.local @!p0 [spmem:s12], $0x3E80  }
0xc4: {  	_ =	swait.ge @!p0 [sflag:s18], $0x3E80  }
0xc5: {  	[sflag:s18] =	ssyncset.done @!p0 $0x0  }
0xc6: {  	[sflag:s18] =	ssyncadd.s32 @!p0 $0xFFFFC180  }
0xc7: {  	_ =	sfence.sel $0x180000  }
0xc8: {  	[bflag:$0x0] =	sbarrier.arrive $0xFFFF  }
0xc9: {  	p0 =	sne.s32 s2, $0x0;
	_ =	strace $0x9000004A  }
0xca: {  	s0 =	sadd.s32 @!p0 $0x100000, s0;
	[bflag:$0x2] =	sbarrier.arrive $0xFFFF  }
0xcb: {  	[sflag:s0] =	ssyncadd.tile.s32 @!p0 $0x1;
	_ =	shalt  }
.Lfunc_end2:
_tile_overlayer_lowered:
.L_overlay_start_2:
0xcc: {  	(tag) =	ssettag $0x2  }
0xcd: {  	s0 =	rddreg [dreg:$0x0];
	s2 =	stileid.u32  }
0xce: {  	s1 =	rddreg [dreg:$0x1];
	p0 =	sne.s32 s2, $0x0  }
0xcf: {  	s3 =	rddreg [dreg:$0x2];
	[bflag:$0x3] =	sbarrier.arrive $0xFFFF;
	s2 =	simm.s32 @!p0 $0x1C01  }
0xd0: {  	[timem:s3], [sflag:s2] =	dma.local @!p0 [hbm:s0], s1  }
0xd1: {  	s0 =	simm.s32 @!p0 $0x1  }
0xd2: {  	_ =	swait.ge @!p0 [sflag:s0], s1  }
0xd3: {  	s1 =	ssub.s32 @!p0 $0x0, s1;
	[sflag:s0] =	ssyncset.done @!p0 $0x0  }
0xd4: {  	[sflag:s0] =	ssyncadd.s32 @!p0 s1  }
0xd5: {  	[bflag:$0x3] =	sbarrier.arrive $0xFFFF  }
0xd6: {  	_ =	shalt  }

// kernel: kernel.9.cloned.1.call-start
scs
__scs_entry_jumppad:
0x0: {  	(pc) =	sbr.rel $0x88, $3  }
0x1: {  	(tag) =	ssettag $0x0;
	lr =	simm.s32 $0x1  }
0x2: {  	[smem:$0x3F8F] =	sst lr;
	_ =	strace $0xD0000000  }
0x3: {  	_ = 	snop  }
0x4: {  	_ = 	snop  }
0x5: {  	_ = 	snop  }
0x6: {  	_ = 	snop  }
0x7: {  	_ = 	snop  }
__scs_overlays_trampoline_lowered:
0x8: {  	[smem:$0x3F9E] =	sst s0  }
0x9: {  	[smem:$0x3F9F] =	sst s1  }
0xa: {  	[smem:$0x3FA0] =	sst s2  }
0xb: {  	[smem:$0x3FA1] =	sst s3  }
0xc: {  	[smem:$0x3FA2] =	sst s4  }
0xd: {  	[smem:$0x3FA3] =	sst s5  }
0xe: {  	[smem:$0x3FA4] =	sst s6  }
0xf: {  	[smem:$0x3FA5] =	sst s7  }
0x10: {  	[smem:$0x3FA6] =	sst s8  }
0x11: {  	[smem:$0x3FA7] =	sst s9;
	s0 =	simm.s32 @!p0 $0x0  }
0x12: {  	s1 =	sld [smem:$0x3F8D];
	s0 =	simm.s32 @p0 $0x1  }
0x13: {  	[smem:$0x3FA8] =	sst s0;
	s0 =	simm.s32 @!p1 $0x0  }
0x14: {  	s2 =	sld [smem:$0x3F8C];
	s0 =	simm.s32 @p1 $0x1  }
0x15: {  	[smem:$0x3FA9] =	sst s0;
	s0 =	simm.s32 @!p2 $0x0  }
0x16: {  	s3 =	sld [smem:$0x3FDB];
	s0 =	simm.s32 @p2 $0x1  }
0x17: {  	s4 =	simm.s32 $0x1BF5;
	[smem:$0x3FAB] =	sst s0  }
0x18: {  	s0 =	sld [smem:$0x3F8E];
	_ =	swait.ge [sflag:s4], $0x0  }
0x19: {  	s7 =	sld [smem:$0x3F8F]  }
0x1a: {  	s8 =	sadd.s32 $0xFFFFE003, lr  }
0x1b: {  	s9 =	sadd.s32 $0xFFFFFEF7, lr;
	s5 =	simm.s32 $0xFFFFFFFF;
	p2 =	slt.u32 s8, $0xFFFFF086  }
0x1c: {  	p1 =	slt.u32 s9, $0xF7A;
	s5 =	simm.s32 @!p2 $0x0  }
0x1d: {  	s5 =	simm.s32 @p1 $0x1;
	p0 =	seq.s32 s7, s2  }
0x1e: {  	s7 =	smul.u32 @!p0 $0xF7A, s2;
	p2 =	seq.s32 @!p0 s5, $0x0  }
0x1f: {  	s9 =	smul.u32 $0xF7A, s1;
	s8 =	simm.s32 @!p0 $0x1BF5;
	p2 =	por !p2, p0  }
0x20: {  	[sflag:s8] =	ssyncset.s32 @!p0 $0xFFFFF086;
	s6 =	sadd.s32 @!p0 s3, s7;
	s7 =	simm.s32 @!p0 $0x108  }
0x21: {  	s3 =	sadd.s32 s3, s9;
	s6 =	sadd.s32 @!p0 $0x88, s6;
	s7 =	simm.s32 @p2 $0x1082  }
0x22: {  	[simem:s7], [sflag:s8] =	dma.local @!p0 [hbm:s6], $0xF7A  }
0x23: {  	s9 =	sor.u32 $0xD0000000, s2;
	s6 =	simm.s32 $0x108;
	_ =	swait.ge @!p0 [sflag:s8], $0x0  }
0x24: {  	s3 =	sadd.s32 $0x88, s3;
	s6 =	simm.s32 @!p1 $0x1082;
	[sflag:s4] =	ssyncset.s32 $0xFFFFF086  }
0x25: {  	[simem:s6], [sflag:s4] =	dma.local [hbm:s3], $0xF7A  }
0x26: {  	[smem:$0x3F8F] =	sst s1;
	(tag) =	ssettag s2;
	_ =	strace s9  }
0x27: {  	s1 =	sld [smem:$0x3F9F]  }
0x28: {  	s2 =	sld [smem:$0x3FA0]  }
0x29: {  	s4 =	sld [smem:$0x3FA2]  }
0x2a: {  	p0 =	seq.s32 s5, $0x0;
	s5 =	sld [smem:$0x3FA3]  }
0x2b: {  	s6 =	sld [smem:$0x3FA4]  }
0x2c: {  	s7 =	sld [smem:$0x3FA5]  }
0x2d: {  	s3 =	simm.s32 $0x108;
	s8 =	sld [smem:$0x3FA6]  }
0x2e: {  	s3 =	simm.s32 @!p0 $0x1082;
	s9 =	sld [smem:$0x3FA7]  }
0x2f: {  	lr =	sadd.s32 s0, s3;
	s0 =	sld [smem:$0x3F9E]  }
0x30: {  	s3 =	sld [smem:$0x3FA1]  }
0x31: {  	[smem:$0x3FAA] =	sst s10  }
0x32: {  	s10 =	sld [smem:$0x3FA8];
	_ =	sdelay $0x3  }
0x33: {  	p0 =	seq.s32 s10, $0x1;
	s10 =	sld [smem:$0x3FAA];
	_ =	sdelay $0x3  }
0x34: {  	[smem:$0x3FAA] =	sst s10  }
0x35: {  	s10 =	sld [smem:$0x3FA9];
	_ =	sdelay $0x3  }
0x36: {  	p1 =	seq.s32 s10, $0x1;
	s10 =	sld [smem:$0x3FAA];
	_ =	sdelay $0x3  }
0x37: {  	[smem:$0x3FAA] =	sst s10  }
0x38: {  	s10 =	sld [smem:$0x3FAB]  }
0x39: {  	_ = 	snop;
	(pc) =	sbr.ind lr, $3  }
0x3a: {  	_ = 	snop  }
0x3b: {  	_ = 	snop  }
0x3c: {  	p2 =	seq.s32 s10, $0x1;
	s10 =	sld [smem:$0x3FAA]  }
0x3d: {  	_ =	shalt  }
0x3e: {  	_ =	shalt  }
0x3f: {  	_ =	shalt  }
0x40: {  	_ =	shalt  }
0x41: {  	_ =	shalt  }
0x42: {  	_ =	shalt  }
0x43: {  	_ =	shalt  }
0x44: {  	_ =	shalt  }
0x45: {  	_ =	shalt  }
0x46: {  	_ =	shalt  }
0x47: {  	_ =	shalt  }
0x48: {  	_ =	shalt  }
0x49: {  	_ =	shalt  }
0x4a: {  	_ =	shalt  }
0x4b: {  	_ =	shalt  }
0x4c: {  	_ =	shalt  }
0x4d: {  	_ =	shalt  }
0x4e: {  	_ =	shalt  }
0x4f: {  	_ =	shalt  }
0x50: {  	_ =	shalt  }
0x51: {  	_ =	shalt  }
0x52: {  	_ =	shalt  }
0x53: {  	_ =	shalt  }
0x54: {  	_ =	shalt  }
0x55: {  	_ =	shalt  }
0x56: {  	_ =	shalt  }
0x57: {  	_ =	shalt  }
0x58: {  	_ =	shalt  }
0x59: {  	_ =	shalt  }
0x5a: {  	_ =	shalt  }
0x5b: {  	_ =	shalt  }
0x5c: {  	_ =	shalt  }
0x5d: {  	_ =	shalt  }
0x5e: {  	_ =	shalt  }
0x5f: {  	_ =	shalt  }
0x60: {  	_ =	shalt  }
0x61: {  	_ =	shalt  }
0x62: {  	_ =	shalt  }
0x63: {  	_ =	shalt  }
0x64: {  	_ =	shalt  }
0x65: {  	_ =	shalt  }
0x66: {  	_ =	shalt  }
0x67: {  	_ =	shalt  }
0x68: {  	_ =	shalt  }
0x69: {  	_ =	shalt  }
0x6a: {  	_ =	shalt  }
0x6b: {  	_ =	shalt  }
0x6c: {  	_ =	shalt  }
0x6d: {  	_ =	shalt  }
0x6e: {  	_ =	shalt  }
0x6f: {  	_ =	shalt  }
0x70: {  	_ =	shalt  }
0x71: {  	_ =	shalt  }
0x72: {  	_ =	shalt  }
0x73: {  	_ =	shalt  }
0x74: {  	_ =	shalt  }
0x75: {  	_ =	shalt  }
0x76: {  	_ =	shalt  }
0x77: {  	_ =	shalt  }
0x78: {  	_ =	shalt  }
0x79: {  	_ =	shalt  }
0x7a: {  	_ =	shalt  }
0x7b: {  	_ =	shalt  }
0x7c: {  	_ =	shalt  }
0x7d: {  	_ =	shalt  }
0x7e: {  	_ =	shalt  }
0x7f: {  	_ =	shalt  }
0x80: {  	_ =	shalt  }
0x81: {  	_ =	shalt  }
0x82: {  	_ =	shalt  }
0x83: {  	_ =	shalt  }
0x84: {  	_ =	shalt  }
0x85: {  	_ =	shalt  }
0x86: {  	_ =	shalt  }
0x87: {  	_ =	shalt  }
.Lfunc_end0:
.L_simem_size_0:
called_computation_lowered:
.L_overlay_start_0:
0x88: {  	s2 =	sld [smem:$0x3FD9]  }
0x89: {  	s3 =	sld [smem:$0x3FFE];
	_ =	sdelay $0x1  }
0x8a: {  	s1 =	srdreg.scid  }
0x8b: {  	s0 =	sand.u32 $0x1, s1  }
0x8c: {  	s17 =	sshll.u32 s0, $0xA;
	s2 =	sadd.s32 s3, s2  }
0x8d: {  	s2 =	sadd.s32 s2, s17  }
0x8e: {  	[smem:$0x3FB6] =	sst s2  }
0x8f: {  	_ = 	snop  }
0x90: {  	s2 =	sld [smem:$0x3FD0];
	(tm) =	ssettm $0x1  }
0x91: {  	s18 =	sld [smem:$0x3FFB];
	_ =	sdelay $0x3  }
0x92: {  	_ =	strace s18  }
0x93: {  	s3 =	sld [smem:$0x3FFC];
	_ =	sdelay $0x3  }
0x94: {  	_ =	strace s3  }
0x95: {  	s3 =	sld [smem:$0x3FFD];
	_ =	sdelay $0x3  }
0x96: {  	_ =	strace s3  }
0x97: {  	_ =	strace $0x8FFFFFFF  }
0x98: {  	s19 =	sld [smem:$0x3FDB];
	_ =	sdelay $0x1  }
0x99: {  	s4 =	simm.s32 $_scs_section_size  }
0x9a: {  	s5 =	simm.s32 $_size__tile_overlayer_lowered;
	s6 =	simm.s32 $_tile_overlayer_lowered  }
0x9b: {  	s22 =	simm.s32 $0x1BFF;
	s21 =	sshll.u32 s6, $0x1;
	s3 =	sadd.s32 s4, s19  }
0x9c: {  	s7 =	simm.s32 $0x0;
	s20 =	sshll.u32 s5, $0x1;
	s5 =	sadd.s32 s21, s3  }
0x9d: {  	[timem:s7], [sflag:s22] =	dma.local [hbm:s5], s20  }
0x9e: {  	_ =	swait.ge [sflag:s22], s20  }
0x9f: {  	s4 =	ssub.s32 $0x0, s20;
	[sflag:s22] =	ssyncset.done $0x0  }
0xa0: {  	[sflag:s22] =	ssyncadd.s32 s4;
	_ =	sdelay $0x1  }
0xa1: {  	s23 =	simm.s32 $0x1B8B  }
0xa2: {  	_ =	swait.ge [sflag:s23], $0x1  }
0xa3: {  	[sflag:s23] =	ssyncset.done $0x0  }
0xa4: {  	s25 =	simm.s32 $0x1B8E;
	s24 =	sld [smem:$0x3FFE];
	[sflag:s23] =	ssyncadd.s32 $0xFFFFFFFF  }
0xa5: {  	s26 =	simm.s32 $execute0_lowered;
	[smem:$0x3FD2] =	sst s25  }
0xa6: {  	s5 =	sshll.u32 s26, $0x1;
	_ =	strace $0x80000046;
	[dreg:$0x1] =	wrdreg $0xFFFFFFFF  }
0xa7: {  	s28 =	simm.s32 $_size_execute0_lowered;
	s3 =	sadd.s32 s3, s5;
	[dreg:$0x0] =	wrdreg $0x0  }
0xa8: {  	s5 =	sshll.u32 s28, $0x1;
	[dreg:$0x2] =	wrdreg s3  }
0xa9: {  	[dreg:$0x3] =	wrdreg s5  }
0xaa: {  	[dreg:$0x4] =	wrdreg $0xC0  }
0xab: {  	_ =	task [dreg:s7], $0x5FFFF  }
0xac: {  	[dreg:$0x1] =	wrdreg $0xFFFFFFFF  }
0xad: {  	[dreg:$0x0] =	wrdreg $0x60  }
0xae: {  	[dreg:$0x2] =	wrdreg s2  }
0xaf: {  	[dreg:$0x3] =	wrdreg s24  }
0xb0: {  	[dreg:$0x4] =	wrdreg $0x9  }
0xb1: {  	_ =	task.clear_ibuf [dreg:s7], $0x5FFFF;
	_ =	strace $0x90000046  }
0xb2: {  	s29 =	simm.s32 $0x9;
	_ =	strace $0x80000048  }
0xb3: {  	_ =	swait.ge [sflag:s29], $0x1  }
0xb4: {  	[sflag:s29] =	ssyncadd.s32 $0xFFFFFFFF  }
0xb5: {  	_ =	strace $0x90000048  }
0xb6: {  	_ =	sfence  }
0xb7: {  	s30 =	sld [smem:$0x0];
	_ =	sdelay $0x2  }
0xb8: {  	s31 =	sshll.u32 s1, $0xD;
	s1 =	sshrl.u32 s1, $0x2  }
0xb9: {  	s3 =	sand.u32 $0x4000, s31;
	s1 =	sadd.s32 s1, s30  }
0xba: {  	s0 =	sor.u32 s3, s0;
	s1 =	sshll.u32 s1, $0x11  }
0xbb: {  	s0 =	sor.u32 s1, s0  }
0xbc: {  	s0 =	sadd.s32 $0x8F2B, s0  }
0xbd: {  	[sflag:s0] =	ssyncadd.remote.s32 $0x1  }
0xbe: {  	_ =	sfence.sel $0xFFFF  }
0xbf: {  	[dreg:$0x0] =	wrdreg $0xFFFFFFFF;
	(pc) =	sbr.abs _section_cstart, $3  }
0xc0: {  	[dreg:$0x1] =	wrdreg $0xFFFFFFFF  }
0xc1: {  	_ =	task.clear_ibuf [dreg:s7], $0x2FFFF;
	_ =	strace $0x9FFFFFFF  }
0xc2: {  	(tm) =	ssettm $0x7FFFFFFF  }
0xc3: {  	_ =	shalt  }
tec
execute0_lowered:
.L_overlay_start_1:
0x0: {  	(tag) =	ssettag $0x1  }
0x1: {  	s1 =	rddreg [dreg:$0x0]  }
0x2: {  	s5 =	rddreg [dreg:$0x1]  }
0x3: {  	s0 =	rddreg [dreg:$0x2];
	s3 =	simm.s32 $0x0;
	s4 =	srdreg.scid  }
0x4: {  	s2 =	stileid.u32;
	s11 =	simm.s32 $0x50;
	s12 =	simm.s32 $0x100  }
0x5: {  	s13 =	simm.s32 $0x1;
	s14 =	simm.s32 $0x0;
	s7 =	smul.u32 $0x4E20, s2  }
0x6: {  	[smem:$0x7FF] =	sst s3;
	s6 =	sand.u32 $0x1, s4;
	s9 =	smul.u32 $0x4E200, s2  }
0x7: {  	s4 =	sadd.s32 $0x17200, s5;
	s8 =	smul.u32 $0x2710, s6;
	s10 =	ssub.s32 $0x2, s6  }
0x8: {  	_ =	strace $0x80000047;
	s6 =	smul.u32 $0x27100, s6;
	s30 =	sshrl.u32 s10, $0x1  }
0x9: {  	s9 =	sadd.s32 s9, s5;
	s7 =	sadd.s32 s8, s7;
	s8 =	ssub.s32 s10, s30  }
0xa: {  	s6 =	sadd.s32 s6, s9;
	s9 =	simm.s32 $0x2;
	s7 =	sshrl.u32 s7, $0x3  }
0xb: {  	s10 =	simm.s32 $0x80;
	s6 =	sadd.s32 $0x3E400, s6;
	s31 =	sadd.s32 s7, s5  }
0xc: {  	s5 =	smax.u32 s8, $0x1;
	s7 =	sadd.s32 $0xD400, s31;
	s8 =	sadd.s32 $0x3600, s31  }
.LBB2_1:
0xd: {  	s15 =	sadd.s32 $0x0, s8  }
0xe: {  	[tilespmem:s3], [sflag:$0x2] =	stream.linear.gather [hbm4b:s15+s3], $0x50, $0x38;
	[tilespmem:$0x2900] =	vst v63  }
0xf: {  	_ =	swait.ge [sflag:s9], $0x50  }
0x10: {  	[sflag:s9] =	ssyncset.done $0x0  }
0x11: {  	s31 =	sadd.s32 $0x0, s7;
	[sflag:s9] =	ssyncadd.s32 $0xFFFFFFB0  }
0x12: {  	[tilespmem:s10], [sflag:$0x2] =	stream.linear.gather [hbm4b:s31+s3], $0x50, $0x38;
	[tilespmem:$0x2900] =	vst v63  }
0x13: {  	_ =	swait.ge [sflag:s9], $0x50  }
0x14: {  	[sflag:s9] =	ssyncset.done $0x0  }
0x15: {  	[sflag:s9] =	ssyncadd.s32 $0xFFFFFFB0  }
0x16: {  	[tilespmem:s12], [sflag:$0x1] =	stream.indirect.gather [hbm4b:s1+s11], $0x80, s3, s11, $0xb8;
	[tilespmem:$0x2900] =	vst v63  }
0x17: {  	_ =	swait.ge [sflag:s13], $0x2800  }
0x18: {  	[sflag:s13] =	ssyncset.done $0x0  }
0x19: {  	[sflag:s13] =	ssyncadd.s32 $0xFFFFD800  }
0x1a: {  	[tilespmem:s12], [sflag:$0x1] =	stream.indirect.gather.add.f32 [hbm:s4], $0x80, s10, s11, $0xb8;
	[tilespmem:$0x2900] =	vst v63  }
0x1b: {  	_ =	swait.ge [sflag:s13], $0x2800  }
0x1c: {  	[sflag:s13] =	ssyncset.done $0x0  }
0x1d: {  	[sflag:s13] =	ssyncadd.s32 $0xFFFFD800  }
0x1e: {  	[hbm4b:s6+s3] =	stream.linear.scatter [tilespmem:s12], [sflag:$0x2], $0x2800, $0x38;
	[tilespmem:$0x2900] =	vst v63  }
0x1f: {  	s16 =	simm.s32 $0xA;
	_ =	swait.ge [sflag:s9], $0x2800  }
0x20: {  	s17 =	simm.s32 $0x14;
	s15 =	sadd.s32 $0x500, s6;
	[sflag:s9] =	ssyncset.done $0x0  }
.LBB2_2:
0x21: {  	s18 =	sadd.s32 s16, s8  }
0x22: {  	[sflag:s9] =	ssyncadd.s32 $0xFFFFD800;
	s19 =	smov.u32 s17;
	s20 =	sadd.s32 $0xA, s17  }
0x23: {  	[tilespmem:s3], [sflag:$0x2] =	stream.linear.gather [hbm4b:s18+s3], $0x50, $0x38;
	[tilespmem:$0x2900] =	vst v63  }
0x24: {  	p0 =	sne.s32 s17, $0x4D8;
	_ =	swait.ge [sflag:s9], $0x50  }
0x25: {  	[sflag:s9] =	ssyncset.done $0x0  }
0x26: {  	s17 =	sadd.s32 s16, s7;
	s16 =	smov.u32 s19;
	[sflag:s9] =	ssyncadd.s32 $0xFFFFFFB0  }
0x27: {  	[tilespmem:s10], [sflag:$0x2] =	stream.linear.gather [hbm4b:s17+s3], $0x50, $0x38;
	[tilespmem:$0x2900] =	vst v63  }
0x28: {  	_ =	swait.ge [sflag:s9], $0x50  }
0x29: {  	[sflag:s9] =	ssyncset.done $0x0  }
0x2a: {  	[sflag:s9] =	ssyncadd.s32 $0xFFFFFFB0  }
0x2b: {  	[tilespmem:s12], [sflag:$0x1] =	stream.indirect.gather [hbm4b:s1+s11], $0x80, s3, s11, $0xb8;
	[tilespmem:$0x2900] =	vst v63  }
0x2c: {  	_ =	swait.ge [sflag:s13], $0x2800  }
0x2d: {  	[sflag:s13] =	ssyncset.done $0x0  }
0x2e: {  	[sflag:s13] =	ssyncadd.s32 $0xFFFFD800  }
0x2f: {  	[tilespmem:s12], [sflag:$0x1] =	stream.indirect.gather.add.f32 [hbm:s4], $0x80, s10, s11, $0xb8;
	[tilespmem:$0x2900] =	vst v63  }
0x30: {  	_ =	swait.ge [sflag:s13], $0x2800  }
.Ltmp0:
0x31: {  	[sflag:s13] =	ssyncset.done $0x0;
	(pc) =	sbr.rel @p0 .LBB2_2-.Ltmp0, $4  }
0x32: {  	[sflag:s13] =	ssyncadd.s32 $0xFFFFD800  }
0x33: {  	[hbm4b:s15+s3] =	stream.linear.scatter [tilespmem:s12], [sflag:$0x2], $0x2800, $0x38;
	[tilespmem:$0x2900] =	vst v63  }
0x34: {  	_ =	swait.ge [sflag:s9], $0x2800  }
0x35: {  	s17 =	smov.u32 s20;
	s15 =	sadd.s32 $0x500, s15;
	[sflag:s9] =	ssyncset.done $0x0  }
0x36: {  	s17 =	sadd.s32 s16, s8;
	[sflag:s9] =	ssyncadd.s32 $0xFFFFD800  }
0x37: {  	[tilespmem:s3], [sflag:$0x2] =	stream.linear.gather [hbm4b:s17+s3], $0x50, $0x38;
	[tilespmem:$0x2900] =	vst v63  }
0x38: {  	_ =	swait.ge [sflag:s9], $0x50  }
0x39: {  	[sflag:s9] =	ssyncset.done $0x0  }
0x3a: {  	s31 =	sadd.s32 s16, s7;
	[sflag:s9] =	ssyncadd.s32 $0xFFFFFFB0  }
0x3b: {  	[tilespmem:s10], [sflag:$0x2] =	stream.linear.gather [hbm4b:s31+s3], $0x50, $0x38;
	[tilespmem:$0x2900] =	vst v63  }
0x3c: {  	_ =	swait.ge [sflag:s9], $0x50  }
0x3d: {  	[sflag:s9] =	ssyncset.done $0x0  }
0x3e: {  	[sflag:s9] =	ssyncadd.s32 $0xFFFFFFB0  }
0x3f: {  	[tilespmem:s12], [sflag:$0x1] =	stream.indirect.gather [hbm4b:s1+s11], $0x80, s3, s11, $0xb8;
	[tilespmem:$0x2900] =	vst v63  }
0x40: {  	_ =	swait.ge [sflag:s13], $0x2800  }
0x41: {  	[sflag:s13] =	ssyncset.done $0x0  }
0x42: {  	[sflag:s13] =	ssyncadd.s32 $0xFFFFD800  }
0x43: {  	[tilespmem:s12], [sflag:$0x1] =	stream.indirect.gather.add.f32 [hbm:s4], $0x80, s10, s11, $0xb8;
	[tilespmem:$0x2900] =	vst v63  }
0x44: {  	s14 =	sadd.s32 $0x1, s14;
	_ =	swait.ge [sflag:s13], $0x2800  }
0x45: {  	p0 =	sne.s32 s14, s5;
	[sflag:s13] =	ssyncset.done $0x0  }
.Ltmp1:
0x46: {  	[sflag:s13] =	ssyncadd.s32 $0xFFFFD800;
	(pc) =	sbr.rel @p0 .LBB2_1-.Ltmp1, $4  }
0x47: {  	[hbm4b:s15+s3] =	stream.linear.scatter [tilespmem:s12], [sflag:$0x2], $0x2800, $0x38;
	[tilespmem:$0x2900] =	vst v63  }
0x48: {  	_ =	swait.ge [sflag:s9], $0x2800  }
0x49: {  	[sflag:s9] =	ssyncset.done $0x0  }
0x4a: {  	[sflag:s9] =	ssyncadd.s32 $0xFFFFD800  }
0x4b: {  	_ =	sfence.sel $0x180000  }
0x4c: {  	[bflag:$0x0] =	sbarrier.arrive $0xFFFF  }
0x4d: {  	p0 =	sne.s32 s2, $0x0;
	_ =	strace $0x90000047  }
0x4e: {  	s0 =	sadd.s32 @!p0 $0x100000, s0;
	[bflag:$0x2] =	sbarrier.arrive $0xFFFF  }
0x4f: {  	[sflag:s0] =	ssyncadd.tile.s32 @!p0 $0x1;
	_ =	shalt  }
.Lfunc_end2:
_tile_overlayer_lowered:
.L_overlay_start_2:
0x50: {  	(tag) =	ssettag $0x2  }
0x51: {  	s0 =	rddreg [dreg:$0x0];
	s2 =	stileid.u32  }
0x52: {  	s1 =	rddreg [dreg:$0x1];
	p0 =	sne.s32 s2, $0x0  }
0x53: {  	s3 =	rddreg [dreg:$0x2];
	[bflag:$0x3] =	sbarrier.arrive $0xFFFF;
	s2 =	simm.s32 @!p0 $0x1C02  }
0x54: {  	[timem:s3], [sflag:s2] =	dma.local @!p0 [hbm:s0], s1  }
0x55: {  	s0 =	simm.s32 @!p0 $0x2  }
0x56: {  	_ =	swait.ge @!p0 [sflag:s0], s1  }
0x57: {  	s1 =	ssub.s32 @!p0 $0x0, s1;
	[sflag:s0] =	ssyncset.done @!p0 $0x0  }
0x58: {  	[sflag:s0] =	ssyncadd.s32 @!p0 s1  }
0x59: {  	[bflag:$0x3] =	sbarrier.arrive $0xFFFF  }
0x5a: {  	_ =	shalt  }

</sc_bundles>
